<compile_context>
chip_gen: v7x
topology: tpu7x:2x2x1
jax: 0.10.2.dev20260603
libtpu: 0.0.44.dev20260713+nightly
codegen_flags: <defaults>
</compile_context>

<pallas_src>
import functools

import jax
import jax.numpy as jnp
from jax import lax
from jax.experimental import pallas as pl
from jax.experimental.pallas import tpu as pltpu
from jax.experimental.pallas import tpu_sc as plsc

N = 10000
E = 160000
D = 256

NC = 2
NS = 16
EPT = E // NS
K = 128
EPAD = 10240
NBAT = EPAD // K
CW = 128
ACCR = 10240
TRASH = 10200
RPT = ACCR // NS

_mesh = plsc.VectorSubcoreMesh(core_axis_name="c", subcore_axis_name="s")

f32 = jnp.float32
i32 = jnp.int32


@functools.partial(
    pl.kernel,
    out_type=(
        jax.ShapeDtypeStruct((NS, NBAT, K), i32),
        jax.ShapeDtypeStruct((NS, NBAT, K), i32),
    ),
    mesh=_mesh,
    scratch_types=[
        pltpu.VMEM((NBAT, K), i32),
        pltpu.VMEM((NBAT, K), i32),
        pltpu.VMEM((NBAT, K), i32),
        pltpu.VMEM((NBAT, K), i32),
    ],
)
def _prep(src_hbm, dst_hbm, srcl_hbm, dstl_hbm, raw_src, raw_dst, src2, dst2):
    c = lax.axis_index("c")
    s = lax.axis_index("s")

    pltpu.sync_copy(src_hbm.at[s], raw_src)
    pltpu.sync_copy(dst_hbm.at[s], raw_dst)

    lane = lax.iota(i32, 16)

    def build(m, _):
        r = m // (K // 16)
        col = (m % (K // 16)) * 16
        vs = raw_src[r, pl.ds(col, 16)]
        vd = raw_dst[r, pl.ds(col, 16)]
        valid = (m * 16 + lane) < EPT
        src2[r, pl.ds(col, 16)] = jnp.where(valid, vs, 0)
        dst2[r, pl.ds(col, 16)] = jnp.where(valid, vd, TRASH)
        return 0

    lax.fori_loop(0, EPAD // 16, build, 0)

    @pl.when(c == 0)
    def _publish():
        pltpu.sync_copy(src2, srcl_hbm.at[s])
        pltpu.sync_copy(dst2, dstl_hbm.at[s])


@functools.partial(
    pl.kernel,
    out_type=jax.ShapeDtypeStruct((ACCR, CW), f32),
    mesh=_mesh,
    scratch_types=[
        pltpu.VMEM((NBAT, K), i32),
        pltpu.VMEM((K, CW), f32),
        pltpu.VMEM_SHARED((ACCR, CW), f32),
    ],
)
def _deg(dstl_hbm, z_hbm, deg_hbm, dst2, ones_v, acc):
    c = lax.axis_index("c")
    s = lax.axis_index("s")

    pltpu.sync_copy(dstl_hbm.at[s], dst2)

    def orow(r, _):
        for j in range(CW // 16):
            ones_v[r, pl.ds(16 * j, 16)] = jnp.ones((16,), f32)
        return 0
    lax.fori_loop(0, K, orow, 0)

    pltpu.sync_copy(z_hbm.at[pl.ds(RPT * s, RPT)], acc.at[pl.ds(RPT * s, RPT)])
    plsc.subcore_barrier()

    def body(b, _):
        pltpu.sync_copy(ones_v, acc.at[dst2.at[b]], add=True)
        return 0
    lax.fori_loop(0, NBAT, body, 0)

    plsc.subcore_barrier()

    @pl.when(c == 0)
    def _out():
        pltpu.sync_copy(acc.at[pl.ds(RPT * s, RPT)], deg_hbm.at[pl.ds(RPT * s, RPT)])


@functools.partial(
    pl.kernel,
    out_type=jax.ShapeDtypeStruct((NC, ACCR, CW), f32),
    mesh=_mesh,
    scratch_types=[
        pltpu.VMEM((NBAT, K), i32),
        pltpu.VMEM((NBAT, K), i32),
        pltpu.VMEM((K, CW), f32),
        pltpu.VMEM_SHARED((ACCR, CW), f32),
        pltpu.SemaphoreType.DMA,
    ],
)
def _agg(g_hbm, srcl_hbm, dstl_hbm, z_hbm, out_hbm, src2, dst2, rows0, acc, sem0):
    c = lax.axis_index("c")
    s = lax.axis_index("s")

    pltpu.sync_copy(srcl_hbm.at[s], src2)
    pltpu.sync_copy(dstl_hbm.at[s], dst2)
    pltpu.sync_copy(z_hbm.at[pl.ds(RPT * s, RPT)], acc.at[pl.ds(RPT * s, RPT)])
    plsc.subcore_barrier()

    def body(b, _):
        @pl.when(c == 0)
        def _g0():
            pltpu.async_copy(g_hbm.at[0].at[src2.at[b]], rows0, sem0).wait()

        @pl.when(c == 1)
        def _g1():
            pltpu.async_copy(g_hbm.at[1].at[src2.at[b]], rows0, sem0).wait()

        pltpu.sync_copy(rows0, acc.at[dst2.at[b]], add=True)
        return 0
    lax.fori_loop(0, NBAT, body, 0)

    plsc.subcore_barrier()
    pltpu.sync_copy(acc.at[pl.ds(RPT * s, RPT)], out_hbm.at[c, pl.ds(RPT * s, RPT)])


def _enc_body(deg_ref, x_ref, WeT_ref, be_ref, Wc1T_ref, g1_ref, dinv_ref):
    dinv = lax.rsqrt(deg_ref[:, 0:1] + 1.0)
    h = jnp.dot(x_ref[...], WeT_ref[...], preferred_element_type=f32) + be_ref[...]
    h = jnp.maximum(h, 0.0)
    G = jnp.dot(h, Wc1T_ref[...], preferred_element_type=f32) * dinv
    g1_ref[0] = G[:, :CW]
    g1_ref[1] = G[:, CW:]
    dinv_ref[...] = dinv


_RB = 2000

_enc = pl.pallas_call(
    _enc_body,
    grid=(N // _RB,),
    in_specs=[
        pl.BlockSpec((_RB, CW), lambda i: (i, 0)),
        pl.BlockSpec((_RB, D), lambda i: (i, 0)),
        pl.BlockSpec((D, D), lambda i: (0, 0)),
        pl.BlockSpec((1, D), lambda i: (0, 0)),
        pl.BlockSpec((D, D), lambda i: (0, 0)),
    ],
    out_specs=[
        pl.BlockSpec((2, _RB, CW), lambda i: (0, i, 0)),
        pl.BlockSpec((_RB, 1), lambda i: (i, 0)),
    ],
    out_shape=[
        jax.ShapeDtypeStruct((2, N, CW), f32),
        jax.ShapeDtypeStruct((N, 1), f32),
    ],
)

_MB = 1000


def _mid_body(S0_ref, S1_ref, g_ref, dinv_ref, bc_ref, WuT_ref, bu_ref,
              WcnT_ref, out_ref):
    dinv = dinv_ref[...]
    A_lo = (S0_ref[0] + g_ref[0]) * dinv + bc_ref[:, :CW]
    A_hi = (S1_ref[0] + g_ref[1]) * dinv + bc_ref[:, CW:]
    U = (jnp.dot(A_lo, WuT_ref[:CW, :], preferred_element_type=f32)
         + jnp.dot(A_hi, WuT_ref[CW:, :], preferred_element_type=f32)
         + bu_ref[...])
    U = jnp.maximum(U, 0.0)
    G = jnp.dot(U, WcnT_ref[...], preferred_element_type=f32) * dinv
    out_ref[0] = G[:, :CW]
    out_ref[1] = G[:, CW:]


def _fin_body(S0_ref, S1_ref, g_ref, dinv_ref, bc_ref, WuT_ref, bu_ref, out_ref):
    dinv = dinv_ref[...]
    A_lo = (S0_ref[0] + g_ref[0]) * dinv + bc_ref[:, :CW]
    A_hi = (S1_ref[0] + g_ref[1]) * dinv + bc_ref[:, CW:]
    U = (jnp.dot(A_lo, WuT_ref[:CW, :], preferred_element_type=f32)
         + jnp.dot(A_hi, WuT_ref[CW:, :], preferred_element_type=f32)
         + bu_ref[...])
    out_ref[...] = jnp.maximum(U, 0.0)


def _mk_mid(final):
    body = _fin_body if final else _mid_body
    in_specs = [
        pl.BlockSpec((1, _MB, CW), lambda i: (0, i, 0)),
        pl.BlockSpec((1, _MB, CW), lambda i: (1, i, 0)),
        pl.BlockSpec((2, _MB, CW), lambda i: (0, i, 0)),
        pl.BlockSpec((_MB, 1), lambda i: (i, 0)),
        pl.BlockSpec((1, D), lambda i: (0, 0)),
        pl.BlockSpec((D, D), lambda i: (0, 0)),
        pl.BlockSpec((1, D), lambda i: (0, 0)),
    ]
    if not final:
        in_specs.append(pl.BlockSpec((D, D), lambda i: (0, 0)))
    return pl.pallas_call(
        body,
        grid=(N // _MB,),
        in_specs=in_specs,
        out_specs=(pl.BlockSpec((_MB, D), lambda i: (i, 0)) if final
                   else pl.BlockSpec((2, _MB, CW), lambda i: (0, i, 0))),
        out_shape=(jax.ShapeDtypeStruct((N, D), f32) if final
                   else jax.ShapeDtypeStruct((2, N, CW), f32)),
    )


_mid = _mk_mid(False)
_fin = _mk_mid(True)


def kernel(x, edge_index, We, be, Wc1, bc1, Wu1, bu1, Wc2, bc2, Wu2, bu2,
           Wc3, bc3, Wu3, bu3):
    ei = jnp.pad(edge_index.reshape(2, NS, EPT), ((0, 0), (0, 0), (0, EPAD - EPT)))
    src = ei[0].reshape(NS, NBAT, K)
    dst = ei[1].reshape(NS, NBAT, K)
    z = jnp.zeros((ACCR, CW), f32)

    srcl, dstl = _prep(src, dst)
    deg = _deg(dstl, z)

    g1, dinv = _enc(deg[:N], x, We.T, be[None], Wc1.T)

    S1 = _agg(g1, srcl, dstl, z)
    g2 = _mid(S1, S1, g1, dinv, bc1[None], Wu1.T, bu1[None], Wc2.T)

    S2 = _agg(g2, srcl, dstl, z)
    g3 = _mid(S2, S2, g2, dinv, bc2[None], Wu2.T, bu2[None], Wc3.T)

    S3 = _agg(g3, srcl, dstl, z)
    return _fin(S3, S3, g3, dinv, bc3[None], Wu3.T, bu3[None])

# --- scband reference (transcript-rebuilt; emitter-appended) ---
"""Pipeline reference for scband-sparse-contact-gnn-22342419874449 (READ-ONLY COPY).

The authoritative reference and input builder live on the scoring server;
editing this copy changes nothing except your own understanding.
"""

import jax, jax.numpy as jnp
import numpy as np

N = 10000
E = 160000
D = 256


def setup_inputs(seed: int = 0) -> dict:
    key = jax.random.key(seed)
    ks = jax.random.split(key, 20)
    inp = {}
    inp["x"] = jax.random.normal(ks[0], (N, D), dtype=jnp.float32)
    inp["edge_index"] = jax.random.randint(ks[1], (2, E), 0, N, dtype=jnp.int32)
    s = 1.0 / np.sqrt(D)
    # encoder linear (256 -> 256)
    inp["We"] = jax.random.normal(ks[2], (D, D), dtype=jnp.float32) * s
    inp["be"] = jnp.zeros((D,), dtype=jnp.float32)
    # 3 GCNConv layers + 3 update linears, all 256 -> 256
    inp["Wc1"] = jax.random.normal(ks[3], (D, D), dtype=jnp.float32) * s
    inp["bc1"] = jnp.zeros((D,), dtype=jnp.float32)
    inp["Wu1"] = jax.random.normal(ks[4], (D, D), dtype=jnp.float32) * s
    inp["bu1"] = jnp.zeros((D,), dtype=jnp.float32)
    inp["Wc2"] = jax.random.normal(ks[5], (D, D), dtype=jnp.float32) * s
    inp["bc2"] = jnp.zeros((D,), dtype=jnp.float32)
    inp["Wu2"] = jax.random.normal(ks[6], (D, D), dtype=jnp.float32) * s
    inp["bu2"] = jnp.zeros((D,), dtype=jnp.float32)
    inp["Wc3"] = jax.random.normal(ks[7], (D, D), dtype=jnp.float32) * s
    inp["bc3"] = jnp.zeros((D,), dtype=jnp.float32)
    inp["Wu3"] = jax.random.normal(ks[8], (D, D), dtype=jnp.float32) * s
    inp["bu3"] = jnp.zeros((D,), dtype=jnp.float32)
    return inp


def _gcn_conv(x, src, dst, W, b):
    # torch_geometric GCNConv: x @ W.T, add self loops, symmetric normalization,
    # scatter-add aggregation over destination nodes, then bias.
    h = x @ W.T
    loop = jnp.arange(N, dtype=src.dtype)
    s = jnp.concatenate([src, loop])
    d = jnp.concatenate([dst, loop])
    deg = jnp.zeros((N,), dtype=h.dtype).at[d].add(1.0)
    dinv = jnp.where(deg > 0, deg ** -0.5, 0.0)
    norm = dinv[s] * dinv[d]
    msg = h[s] * norm[:, None]
    out = jnp.zeros_like(h).at[d].add(msg)
    return out + b


def reference(x, edge_index, We, be, Wc1, bc1, Wu1, bu1, Wc2, bc2, Wu2, bu2, Wc3, bc3, Wu3, bu3):
    src = edge_index[0]
    dst = edge_index[1]
    # encoder: Linear + act
    h = jax.nn.relu(x @ We.T + be)
    # message passing stack: (GCNConv -> Linear -> act) x 3; last act == inner_act (relu)
    for (Wc, bc, Wu, bu) in ((Wc1, bc1, Wu1, bu1), (Wc2, bc2, Wu2, bu2), (Wc3, bc3, Wu3, bu3)):
        h = _gcn_conv(h, src, dst, Wc, bc)
        h = jax.nn.relu(h @ Wu.T + bu)
    # head_architecture and head_architecture_2 are None -> return latent
    return h

if __name__ == "__main__":
    import jax
    _d = setup_inputs()
    print(jax.jit(kernel)(*tuple(_d.values())))

</pallas_src>

<mosaic_0001>
#map = affine_map<(d0, d1) -> (0, 0, 0)>
#map1 = affine_map<(d0, d1) -> (0, 0)>
module attributes {stable_mosaic.version = 14 : i64} {
  func.func @_deg(%arg0: i32, %arg1: i32, %arg2: memref<16x80x128xi32, #tpu.memory_space<hbm>>, %arg3: memref<10240x128xf32, #tpu.memory_space<hbm>>, %arg4: memref<10240x128xf32, #tpu.memory_space<hbm>>, %arg5: memref<80x128xi32, #tpu.memory_space<vmem>>, %arg6: memref<128x128xf32, #tpu.memory_space<vmem>>, %arg7: memref<10240x128xf32, #tpu.memory_space<vmem_shared>>) attributes {dimension_semantics = [#tpu.dimension_semantics<core_parallel>, #tpu.dimension_semantics<subcore_parallel>], iteration_bounds = array<i64: 2, 16>, scalar_prefetch = 0 : i64, scratch_operands = 3 : i64, tpu.core_type = #tpu.core_type<sc_vector_subcore>, window_params = [{transform_indices = #map}, {transform_indices = #map1}, {transform_indices = #map1}]} {
    "tpu.region"() ({
      %run_scoped3A = tpu.sem_alloc : memref<!tpu.dma_semaphore, #tpu.memory_space<semaphore_mem>>
      %dma_start3A = arith.constant 0 : i32
      %dma_start3A_19 = arith.constant 0 : i32
      %dma_start3A_20 = tpu.memref_slice %arg2[%arg1, %dma_start3A, %dma_start3A_19] : memref<16x80x128xi32, #tpu.memory_space<hbm>> -> memref<1x80x128xi32, #tpu.memory_space<hbm>>
      %dma_start3A_21 = tpu.memref_squeeze %dma_start3A_20 : memref<1x80x128xi32, #tpu.memory_space<hbm>> -> memref<80x128xi32, #tpu.memory_space<hbm>>
      %dma_start3A_22 = arith.constant 0 : i32
      %dma_start3A_23 = arith.constant 0 : i32
      %dma_start3A_24 = tpu.memref_slice %arg2[%arg1, %dma_start3A_22, %dma_start3A_23] : memref<16x80x128xi32, #tpu.memory_space<hbm>> -> memref<1x80x128xi32, #tpu.memory_space<hbm>>
      %dma_start3A_25 = tpu.memref_squeeze %dma_start3A_24 : memref<1x80x128xi32, #tpu.memory_space<hbm>> -> memref<80x128xi32, #tpu.memory_space<hbm>>
      tpu.enqueue_dma source(%dma_start3A_25 : memref<80x128xi32, #tpu.memory_space<hbm>>) target(%arg5 : memref<80x128xi32, #tpu.memory_space<vmem>>) target_semaphore(%run_scoped3A : memref<!tpu.dma_semaphore, #tpu.memory_space<semaphore_mem>>)
      %dma_wait3A = arith.constant 0 : i32
      %dma_wait3A_26 = arith.constant 0 : i32
      %dma_wait3A_27 = tpu.memref_slice %arg2[%arg1, %dma_wait3A, %dma_wait3A_26] : memref<16x80x128xi32, #tpu.memory_space<hbm>> -> memref<1x80x128xi32, #tpu.memory_space<hbm>>
      %dma_wait3A_28 = tpu.memref_squeeze %dma_wait3A_27 : memref<1x80x128xi32, #tpu.memory_space<hbm>> -> memref<80x128xi32, #tpu.memory_space<hbm>>
      %dma_wait3A_29 = arith.constant 0 : i32
      %dma_wait3A_30 = arith.constant 0 : i32
      %dma_wait3A_31 = tpu.memref_slice %arg2[%arg1, %dma_wait3A_29, %dma_wait3A_30] : memref<16x80x128xi32, #tpu.memory_space<hbm>> -> memref<1x80x128xi32, #tpu.memory_space<hbm>>
      %dma_wait3A_32 = tpu.memref_squeeze %dma_wait3A_31 : memref<1x80x128xi32, #tpu.memory_space<hbm>> -> memref<80x128xi32, #tpu.memory_space<hbm>>
      tpu.wait_dma2 semaphore(%run_scoped3A : memref<!tpu.dma_semaphore, #tpu.memory_space<semaphore_mem>>) src(%dma_wait3A_32 : memref<80x128xi32, #tpu.memory_space<hbm>>) dst(%arg5 : memref<80x128xi32, #tpu.memory_space<vmem>>)
      tpu.yield
    }) : () -> ()
    %scan3A = arith.constant 0 : i32
    %scan3A_0 = arith.constant 0 : i32
    %scan3A_1 = arith.constant 128 : i32
    %scan3A_2 = arith.addi %scan3A_0, %scan3A_1 : i32
    %scan3A_3 = arith.constant 1 : i32
    %scan3A_4 = scf.for %scan3A_19 = %scan3A_0 to %scan3A_2 step %scan3A_3 iter_args(%scan3A_20 = %scan3A) -> (i32)  : i32 {
      %broadcast_in_dim3A = arith.constant 1.000000e+00 : f32
      %broadcast_in_dim3A_21 = vector.broadcast %broadcast_in_dim3A : f32 to vector<16xf32>
      %swap3A = arith.index_cast %scan3A_19 : i32 to index
      %swap3A_22 = arith.constant 0 : index
      %swap3A_23 = tpu.vector_load %arg6[%swap3A, %swap3A_22] {strides = array<i32>} : memref<128x128xf32, #tpu.memory_space<vmem>>, vector<1x16xf32>,
      %swap3A_24 = vector.shape_cast %swap3A_23 : vector<1x16xf32> to vector<16xf32>
      %swap3A_25 = vector.shape_cast %broadcast_in_dim3A_21 : vector<16xf32> to vector<1x16xf32>
      tpu.vector_store %arg6[%swap3A, %swap3A_22], %swap3A_25 {strides = array<i32>} : memref<128x128xf32, #tpu.memory_space<vmem>>, vector<1x16xf32>,
      %broadcast_in_dim3A_26 = arith.constant 1.000000e+00 : f32
      %broadcast_in_dim3A_27 = vector.broadcast %broadcast_in_dim3A_26 : f32 to vector<16xf32>
      %swap3A_28 = arith.index_cast %scan3A_19 : i32 to index
      %swap3A_29 = arith.constant 16 : index
      %swap3A_30 = tpu.vector_load %arg6[%swap3A_28, %swap3A_29] {strides = array<i32>} : memref<128x128xf32, #tpu.memory_space<vmem>>, vector<1x16xf32>,
      %swap3A_31 = vector.shape_cast %swap3A_30 : vector<1x16xf32> to vector<16xf32>
      %swap3A_32 = vector.shape_cast %broadcast_in_dim3A_27 : vector<16xf32> to vector<1x16xf32>
      tpu.vector_store %arg6[%swap3A_28, %swap3A_29], %swap3A_32 {strides = array<i32>} : memref<128x128xf32, #tpu.memory_space<vmem>>, vector<1x16xf32>,
      %broadcast_in_dim3A_33 = arith.constant 1.000000e+00 : f32
      %broadcast_in_dim3A_34 = vector.broadcast %broadcast_in_dim3A_33 : f32 to vector<16xf32>
      %swap3A_35 = arith.index_cast %scan3A_19 : i32 to index
      %swap3A_36 = arith.constant 32 : index
      %swap3A_37 = tpu.vector_load %arg6[%swap3A_35, %swap3A_36] {strides = array<i32>} : memref<128x128xf32, #tpu.memory_space<vmem>>, vector<1x16xf32>,
      %swap3A_38 = vector.shape_cast %swap3A_37 : vector<1x16xf32> to vector<16xf32>
      %swap3A_39 = vector.shape_cast %broadcast_in_dim3A_34 : vector<16xf32> to vector<1x16xf32>
      tpu.vector_store %arg6[%swap3A_35, %swap3A_36], %swap3A_39 {strides = array<i32>} : memref<128x128xf32, #tpu.memory_space<vmem>>, vector<1x16xf32>,
      %broadcast_in_dim3A_40 = arith.constant 1.000000e+00 : f32
      %broadcast_in_dim3A_41 = vector.broadcast %broadcast_in_dim3A_40 : f32 to vector<16xf32>
      %swap3A_42 = arith.index_cast %scan3A_19 : i32 to index
      %swap3A_43 = arith.constant 48 : index
      %swap3A_44 = tpu.vector_load %arg6[%swap3A_42, %swap3A_43] {strides = array<i32>} : memref<128x128xf32, #tpu.memory_space<vmem>>, vector<1x16xf32>,
      %swap3A_45 = vector.shape_cast %swap3A_44 : vector<1x16xf32> to vector<16xf32>
      %swap3A_46 = vector.shape_cast %broadcast_in_dim3A_41 : vector<16xf32> to vector<1x16xf32>
      tpu.vector_store %arg6[%swap3A_42, %swap3A_43], %swap3A_46 {strides = array<i32>} : memref<128x128xf32, #tpu.memory_space<vmem>>, vector<1x16xf32>,
      %broadcast_in_dim3A_47 = arith.constant 1.000000e+00 : f32
      %broadcast_in_dim3A_48 = vector.broadcast %broadcast_in_dim3A_47 : f32 to vector<16xf32>
      %swap3A_49 = arith.index_cast %scan3A_19 : i32 to index
      %swap3A_50 = arith.constant 64 : index
      %swap3A_51 = tpu.vector_load %arg6[%swap3A_49, %swap3A_50] {strides = array<i32>} : memref<128x128xf32, #tpu.memory_space<vmem>>, vector<1x16xf32>,
      %swap3A_52 = vector.shape_cast %swap3A_51 : vector<1x16xf32> to vector<16xf32>
      %swap3A_53 = vector.shape_cast %broadcast_in_dim3A_48 : vector<16xf32> to vector<1x16xf32>
      tpu.vector_store %arg6[%swap3A_49, %swap3A_50], %swap3A_53 {strides = array<i32>} : memref<128x128xf32, #tpu.memory_space<vmem>>, vector<1x16xf32>,
      %broadcast_in_dim3A_54 = arith.constant 1.000000e+00 : f32
      %broadcast_in_dim3A_55 = vector.broadcast %broadcast_in_dim3A_54 : f32 to vector<16xf32>
      %swap3A_56 = arith.index_cast %scan3A_19 : i32 to index
      %swap3A_57 = arith.constant 80 : index
      %swap3A_58 = tpu.vector_load %arg6[%swap3A_56, %swap3A_57] {strides = array<i32>} : memref<128x128xf32, #tpu.memory_space<vmem>>, vector<1x16xf32>,
      %swap3A_59 = vector.shape_cast %swap3A_58 : vector<1x16xf32> to vector<16xf32>
      %swap3A_60 = vector.shape_cast %broadcast_in_dim3A_55 : vector<16xf32> to vector<1x16xf32>
      tpu.vector_store %arg6[%swap3A_56, %swap3A_57], %swap3A_60 {strides = array<i32>} : memref<128x128xf32, #tpu.memory_space<vmem>>, vector<1x16xf32>,
      %broadcast_in_dim3A_61 = arith.constant 1.000000e+00 : f32
      %broadcast_in_dim3A_62 = vector.broadcast %broadcast_in_dim3A_61 : f32 to vector<16xf32>
      %swap3A_63 = arith.index_cast %scan3A_19 : i32 to index
      %swap3A_64 = arith.constant 96 : index
      %swap3A_65 = tpu.vector_load %arg6[%swap3A_63, %swap3A_64] {strides = array<i32>} : memref<128x128xf32, #tpu.memory_space<vmem>>, vector<1x16xf32>,
      %swap3A_66 = vector.shape_cast %swap3A_65 : vector<1x16xf32> to vector<16xf32>
      %swap3A_67 = vector.shape_cast %broadcast_in_dim3A_62 : vector<16xf32> to vector<1x16xf32>
      tpu.vector_store %arg6[%swap3A_63, %swap3A_64], %swap3A_67 {strides = array<i32>} : memref<128x128xf32, #tpu.memory_space<vmem>>, vector<1x16xf32>,
      %broadcast_in_dim3A_68 = arith.constant 1.000000e+00 : f32
      %broadcast_in_dim3A_69 = vector.broadcast %broadcast_in_dim3A_68 : f32 to vector<16xf32>
      %swap3A_70 = arith.index_cast %scan3A_19 : i32 to index
      %swap3A_71 = arith.constant 112 : index
      %swap3A_72 = tpu.vector_load %arg6[%swap3A_70, %swap3A_71] {strides = array<i32>} : memref<128x128xf32, #tpu.memory_space<vmem>>, vector<1x16xf32>,
      %swap3A_73 = vector.shape_cast %swap3A_72 : vector<1x16xf32> to vector<16xf32>
      %swap3A_74 = vector.shape_cast %broadcast_in_dim3A_69 : vector<16xf32> to vector<1x16xf32>
      tpu.vector_store %arg6[%swap3A_70, %swap3A_71], %swap3A_74 {strides = array<i32>} : memref<128x128xf32, #tpu.memory_space<vmem>>, vector<1x16xf32>,
      %scan3A_75 = arith.constant 0 : i32
      scf.yield %scan3A_75 : i32
    }
    %scan3A_5 = arith.constant 128 : i32
    %mul3A = arith.constant 640 : i32
    %mul3A_6 = arith.muli %mul3A, %arg1 : i32
    %mul3A_7 = arith.constant 640 : i32
    %mul3A_8 = arith.muli %mul3A_7, %arg1 : i32
    "tpu.region"() ({
      %run_scoped3A = tpu.sem_alloc : memref<!tpu.dma_semaphore, #tpu.memory_space<semaphore_mem>>
      %dma_start3A = arith.constant 0 : i32
      %dma_start3A_19 = tpu.memref_slice %arg7[%mul3A_8, %dma_start3A] : memref<10240x128xf32, #tpu.memory_space<vmem_shared>> -> memref<640x128xf32, #tpu.memory_space<vmem_shared>>
      %dma_start3A_20 = arith.constant 0 : i32
      %dma_start3A_21 = tpu.memref_slice %arg3[%mul3A_6, %dma_start3A_20] : memref<10240x128xf32, #tpu.memory_space<hbm>> -> memref<640x128xf32, #tpu.memory_space<hbm>>
      tpu.enqueue_dma source(%dma_start3A_21 : memref<640x128xf32, #tpu.memory_space<hbm>>) target(%dma_start3A_19 : memref<640x128xf32, #tpu.memory_space<vmem_shared>>) target_semaphore(%run_scoped3A : memref<!tpu.dma_semaphore, #tpu.memory_space<semaphore_mem>>)
      %dma_wait3A = arith.constant 0 : i32
      %dma_wait3A_22 = tpu.memref_slice %arg7[%mul3A_8, %dma_wait3A] : memref<10240x128xf32, #tpu.memory_space<vmem_shared>> -> memref<640x128xf32, #tpu.memory_space<vmem_shared>>
      %dma_wait3A_23 = arith.constant 0 : i32
      %dma_wait3A_24 = tpu.memref_slice %arg3[%mul3A_6, %dma_wait3A_23] : memref<10240x128xf32, #tpu.memory_space<hbm>> -> memref<640x128xf32, #tpu.memory_space<hbm>>
      tpu.wait_dma2 semaphore(%run_scoped3A : memref<!tpu.dma_semaphore, #tpu.memory_space<semaphore_mem>>) src(%dma_wait3A_24 : memref<640x128xf32, #tpu.memory_space<hbm>>) dst(%dma_wait3A_22 : memref<640x128xf32, #tpu.memory_space<vmem_shared>>)
      tpu.yield
    }) : () -> ()
    %barrier3A = arith.constant 0 : index
    tpu.barrier barrier_id(%barrier3A)
    %scan3A_9 = arith.constant 0 : i32
    %scan3A_10 = arith.constant 0 : i32
    %scan3A_11 = arith.constant 80 : i32
    %scan3A_12 = arith.addi %scan3A_10, %scan3A_11 : i32
    %scan3A_13 = arith.constant 1 : i32
    %scan3A_14 = scf.for %scan3A_19 = %scan3A_10 to %scan3A_12 step %scan3A_13 iter_args(%scan3A_20 = %scan3A_9) -> (i32)  : i32 {
      "tpu.region"() ({
        %run_scoped3A = tpu.sem_alloc : memref<!tpu.dma_semaphore, #tpu.memory_space<semaphore_mem>>
        %dma_start3A = arith.constant 0 : i32
        %dma_start3A_22 = tpu.memref_slice %arg5[%scan3A_19, %dma_start3A] : memref<80x128xi32, #tpu.memory_space<vmem>> -> memref<1x128xi32, #tpu.memory_space<vmem>>
        %dma_start3A_23 = tpu.memref_squeeze %dma_start3A_22 : memref<1x128xi32, #tpu.memory_space<vmem>> -> memref<128xi32, #tpu.memory_space<vmem>>
        %dma_start3A_24 = arith.constant 0 : i32
        %dma_start3A_25 = arith.constant 0 : i32
        %dma_start3A_26 = tpu.memref_slice %arg7[%dma_start3A_24, %dma_start3A_25] : memref<10240x128xf32, #tpu.memory_space<vmem_shared>> -> memref<10240x128xf32, #tpu.memory_space<vmem_shared>>
        tpu.enqueue_indirect_dma source(%arg6 : memref<128x128xf32, #tpu.memory_space<vmem>>) target(%dma_start3A_26 : memref<10240x128xf32, #tpu.memory_space<vmem_shared>>) offsets(%dma_start3A_23 : memref<128xi32, #tpu.memory_space<vmem>>) semaphore(%run_scoped3A : memref<!tpu.dma_semaphore, #tpu.memory_space<semaphore_mem>>) {add = true}
        %dma_wait3A = arith.constant 0 : i32
        %dma_wait3A_27 = tpu.memref_slice %arg5[%scan3A_19, %dma_wait3A] : memref<80x128xi32, #tpu.memory_space<vmem>> -> memref<1x128xi32, #tpu.memory_space<vmem>>
        %dma_wait3A_28 = tpu.memref_squeeze %dma_wait3A_27 : memref<1x128xi32, #tpu.memory_space<vmem>> -> memref<128xi32, #tpu.memory_space<vmem>>
        %dma_wait3A_29 = arith.constant 0 : i32
        %dma_wait3A_30 = arith.constant 0 : i32
        %dma_wait3A_31 = tpu.memref_slice %arg7[%dma_wait3A_29, %dma_wait3A_30] : memref<10240x128xf32, #tpu.memory_space<vmem_shared>> -> memref<10240x128xf32, #tpu.memory_space<vmem_shared>>
        tpu.wait_indirect_dma semaphore(%run_scoped3A : memref<!tpu.dma_semaphore, #tpu.memory_space<semaphore_mem>>) src(%arg6 : memref<128x128xf32, #tpu.memory_space<vmem>>) dst(%dma_wait3A_31 : memref<10240x128xf32, #tpu.memory_space<vmem_shared>>)
        tpu.yield
      }) : () -> ()
      %scan3A_21 = arith.constant 0 : i32
      scf.yield %scan3A_21 : i32
    }
    %scan3A_15 = arith.constant 80 : i32
    %barrier3A_16 = arith.constant 0 : index
    tpu.barrier barrier_id(%barrier3A_16)
    %eq3A = arith.constant 0 : i32
    %eq3A_17 = arith.cmpi eq, %arg0, %eq3A : i32
    %convert_element_type3A = arith.extui %eq3A_17 : i1 to i32
    %cond3A = arith.constant 0 : i32
    %cond3A_18 = arith.cmpi ne, %convert_element_type3A, %cond3A : i32
    scf.if %cond3A_18 {
      %mul3A_19 = arith.constant 640 : i32
      %mul3A_20 = arith.muli %mul3A_19, %arg1 : i32
      %mul3A_21 = arith.constant 640 : i32
      %mul3A_22 = arith.muli %mul3A_21, %arg1 : i32
      "tpu.region"() ({
        %run_scoped3A = tpu.sem_alloc : memref<!tpu.dma_semaphore, #tpu.memory_space<semaphore_mem>>
        %dma_start3A = arith.constant 0 : i32
        %dma_start3A_23 = tpu.memref_slice %arg4[%mul3A_22, %dma_start3A] : memref<10240x128xf32, #tpu.memory_space<hbm>> -> memref<640x128xf32, #tpu.memory_space<hbm>>
        %dma_start3A_24 = arith.constant 0 : i32
        %dma_start3A_25 = tpu.memref_slice %arg7[%mul3A_20, %dma_start3A_24] : memref<10240x128xf32, #tpu.memory_space<vmem_shared>> -> memref<640x128xf32, #tpu.memory_space<vmem_shared>>
        tpu.enqueue_dma source(%dma_start3A_25 : memref<640x128xf32, #tpu.memory_space<vmem_shared>>) target(%dma_start3A_23 : memref<640x128xf32, #tpu.memory_space<hbm>>) target_semaphore(%run_scoped3A : memref<!tpu.dma_semaphore, #tpu.memory_space<semaphore_mem>>)
        %dma_wait3A = arith.constant 0 : i32
        %dma_wait3A_26 = tpu.memref_slice %arg4[%mul3A_22, %dma_wait3A] : memref<10240x128xf32, #tpu.memory_space<hbm>> -> memref<640x128xf32, #tpu.memory_space<hbm>>
        %dma_wait3A_27 = arith.constant 0 : i32
        %dma_wait3A_28 = tpu.memref_slice %arg7[%mul3A_20, %dma_wait3A_27] : memref<10240x128xf32, #tpu.memory_space<vmem_shared>> -> memref<640x128xf32, #tpu.memory_space<vmem_shared>>
        tpu.wait_dma2 semaphore(%run_scoped3A : memref<!tpu.dma_semaphore, #tpu.memory_space<semaphore_mem>>) src(%dma_wait3A_28 : memref<640x128xf32, #tpu.memory_space<vmem_shared>>) dst(%dma_wait3A_26 : memref<640x128xf32, #tpu.memory_space<hbm>>)
        tpu.yield
      }) : () -> ()
    } else {
    }
    return
  }
}

#map = affine_map<(d0, d1) -> (0, 0, 0)>
module attributes {stable_mosaic.version = 14 : i64} {
  func.func @_prep(%arg0: i32, %arg1: i32, %arg2: memref<16x80x128xi32, #tpu.memory_space<hbm>>, %arg3: memref<16x80x128xi32, #tpu.memory_space<hbm>>, %arg4: memref<16x80x128xi32, #tpu.memory_space<hbm>>, %arg5: memref<16x80x128xi32, #tpu.memory_space<hbm>>, %arg6: memref<80x128xi32, #tpu.memory_space<vmem>>, %arg7: memref<80x128xi32, #tpu.memory_space<vmem>>, %arg8: memref<80x128xi32, #tpu.memory_space<vmem>>, %arg9: memref<80x128xi32, #tpu.memory_space<vmem>>) attributes {dimension_semantics = [#tpu.dimension_semantics<core_parallel>, #tpu.dimension_semantics<subcore_parallel>], iteration_bounds = array<i64: 2, 16>, scalar_prefetch = 0 : i64, scratch_operands = 4 : i64, tpu.core_type = #tpu.core_type<sc_vector_subcore>, window_params = [{transform_indices = #map}, {transform_indices = #map}, {transform_indices = #map}, {transform_indices = #map}]} {
    "tpu.region"() ({
      %run_scoped3A = tpu.sem_alloc : memref<!tpu.dma_semaphore, #tpu.memory_space<semaphore_mem>>
      %dma_start3A = arith.constant 0 : i32
      %dma_start3A_8 = arith.constant 0 : i32
      %dma_start3A_9 = tpu.memref_slice %arg2[%arg1, %dma_start3A, %dma_start3A_8] : memref<16x80x128xi32, #tpu.memory_space<hbm>> -> memref<1x80x128xi32, #tpu.memory_space<hbm>>
      %dma_start3A_10 = tpu.memref_squeeze %dma_start3A_9 : memref<1x80x128xi32, #tpu.memory_space<hbm>> -> memref<80x128xi32, #tpu.memory_space<hbm>>
      %dma_start3A_11 = arith.constant 0 : i32
      %dma_start3A_12 = arith.constant 0 : i32
      %dma_start3A_13 = tpu.memref_slice %arg2[%arg1, %dma_start3A_11, %dma_start3A_12] : memref<16x80x128xi32, #tpu.memory_space<hbm>> -> memref<1x80x128xi32, #tpu.memory_space<hbm>>
      %dma_start3A_14 = tpu.memref_squeeze %dma_start3A_13 : memref<1x80x128xi32, #tpu.memory_space<hbm>> -> memref<80x128xi32, #tpu.memory_space<hbm>>
      tpu.enqueue_dma source(%dma_start3A_14 : memref<80x128xi32, #tpu.memory_space<hbm>>) target(%arg6 : memref<80x128xi32, #tpu.memory_space<vmem>>) target_semaphore(%run_scoped3A : memref<!tpu.dma_semaphore, #tpu.memory_space<semaphore_mem>>)
      %dma_wait3A = arith.constant 0 : i32
      %dma_wait3A_15 = arith.constant 0 : i32
      %dma_wait3A_16 = tpu.memref_slice %arg2[%arg1, %dma_wait3A, %dma_wait3A_15] : memref<16x80x128xi32, #tpu.memory_space<hbm>> -> memref<1x80x128xi32, #tpu.memory_space<hbm>>
      %dma_wait3A_17 = tpu.memref_squeeze %dma_wait3A_16 : memref<1x80x128xi32, #tpu.memory_space<hbm>> -> memref<80x128xi32, #tpu.memory_space<hbm>>
      %dma_wait3A_18 = arith.constant 0 : i32
      %dma_wait3A_19 = arith.constant 0 : i32
      %dma_wait3A_20 = tpu.memref_slice %arg2[%arg1, %dma_wait3A_18, %dma_wait3A_19] : memref<16x80x128xi32, #tpu.memory_space<hbm>> -> memref<1x80x128xi32, #tpu.memory_space<hbm>>
      %dma_wait3A_21 = tpu.memref_squeeze %dma_wait3A_20 : memref<1x80x128xi32, #tpu.memory_space<hbm>> -> memref<80x128xi32, #tpu.memory_space<hbm>>
      tpu.wait_dma2 semaphore(%run_scoped3A : memref<!tpu.dma_semaphore, #tpu.memory_space<semaphore_mem>>) src(%dma_wait3A_21 : memref<80x128xi32, #tpu.memory_space<hbm>>) dst(%arg6 : memref<80x128xi32, #tpu.memory_space<vmem>>)
      tpu.yield
    }) : () -> ()
    "tpu.region"() ({
      %run_scoped3A = tpu.sem_alloc : memref<!tpu.dma_semaphore, #tpu.memory_space<semaphore_mem>>
      %dma_start3A = arith.constant 0 : i32
      %dma_start3A_8 = arith.constant 0 : i32
      %dma_start3A_9 = tpu.memref_slice %arg3[%arg1, %dma_start3A, %dma_start3A_8] : memref<16x80x128xi32, #tpu.memory_space<hbm>> -> memref<1x80x128xi32, #tpu.memory_space<hbm>>
      %dma_start3A_10 = tpu.memref_squeeze %dma_start3A_9 : memref<1x80x128xi32, #tpu.memory_space<hbm>> -> memref<80x128xi32, #tpu.memory_space<hbm>>
      %dma_start3A_11 = arith.constant 0 : i32
      %dma_start3A_12 = arith.constant 0 : i32
      %dma_start3A_13 = tpu.memref_slice %arg3[%arg1, %dma_start3A_11, %dma_start3A_12] : memref<16x80x128xi32, #tpu.memory_space<hbm>> -> memref<1x80x128xi32, #tpu.memory_space<hbm>>
      %dma_start3A_14 = tpu.memref_squeeze %dma_start3A_13 : memref<1x80x128xi32, #tpu.memory_space<hbm>> -> memref<80x128xi32, #tpu.memory_space<hbm>>
      tpu.enqueue_dma source(%dma_start3A_14 : memref<80x128xi32, #tpu.memory_space<hbm>>) target(%arg7 : memref<80x128xi32, #tpu.memory_space<vmem>>) target_semaphore(%run_scoped3A : memref<!tpu.dma_semaphore, #tpu.memory_space<semaphore_mem>>)
      %dma_wait3A = arith.constant 0 : i32
      %dma_wait3A_15 = arith.constant 0 : i32
      %dma_wait3A_16 = tpu.memref_slice %arg3[%arg1, %dma_wait3A, %dma_wait3A_15] : memref<16x80x128xi32, #tpu.memory_space<hbm>> -> memref<1x80x128xi32, #tpu.memory_space<hbm>>
      %dma_wait3A_17 = tpu.memref_squeeze %dma_wait3A_16 : memref<1x80x128xi32, #tpu.memory_space<hbm>> -> memref<80x128xi32, #tpu.memory_space<hbm>>
      %dma_wait3A_18 = arith.constant 0 : i32
      %dma_wait3A_19 = arith.constant 0 : i32
      %dma_wait3A_20 = tpu.memref_slice %arg3[%arg1, %dma_wait3A_18, %dma_wait3A_19] : memref<16x80x128xi32, #tpu.memory_space<hbm>> -> memref<1x80x128xi32, #tpu.memory_space<hbm>>
      %dma_wait3A_21 = tpu.memref_squeeze %dma_wait3A_20 : memref<1x80x128xi32, #tpu.memory_space<hbm>> -> memref<80x128xi32, #tpu.memory_space<hbm>>
      tpu.wait_dma2 semaphore(%run_scoped3A : memref<!tpu.dma_semaphore, #tpu.memory_space<semaphore_mem>>) src(%dma_wait3A_21 : memref<80x128xi32, #tpu.memory_space<hbm>>) dst(%arg7 : memref<80x128xi32, #tpu.memory_space<vmem>>)
      tpu.yield
    }) : () -> ()
    %iota3A = tpu.iota {dimensions = array<i32: 0>} : vector<16xi32>
    %scan3A = arith.constant 0 : i32
    %scan3A_0 = arith.constant 0 : i32
    %scan3A_1 = arith.constant 640 : i32
    %scan3A_2 = arith.addi %scan3A_0, %scan3A_1 : i32
    %scan3A_3 = arith.constant 1 : i32
    %scan3A_4 = scf.for %scan3A_8 = %scan3A_0 to %scan3A_2 step %scan3A_3 iter_args(%scan3A_9 = %scan3A) -> (i32)  : i32 {
      %jit3A = arith.constant 8 : i32
      %div3A = arith.divsi %scan3A_8, %jit3A : i32
      %sign3A = arith.constant 0 : i32
      %sign3A_10 = arith.cmpi sgt, %scan3A_8, %sign3A : i32
      %sign3A_11 = arith.extui %sign3A_10 : i1 to i32
      %sign3A_12 = arith.constant 0 : i32
      %sign3A_13 = arith.cmpi slt, %scan3A_8, %sign3A_12 : i32
      %sign3A_14 = arith.extui %sign3A_13 : i1 to i32
      %sign3A_15 = arith.subi %sign3A_11, %sign3A_14 : i32
      %sign3A_16 = arith.constant 0 : i32
      %sign3A_17 = arith.cmpi sgt, %jit3A, %sign3A_16 : i32
      %sign3A_18 = arith.extui %sign3A_17 : i1 to i32
      %sign3A_19 = arith.constant 0 : i32
      %sign3A_20 = arith.cmpi slt, %jit3A, %sign3A_19 : i32
      %sign3A_21 = arith.extui %sign3A_20 : i1 to i32
      %sign3A_22 = arith.subi %sign3A_18, %sign3A_21 : i32
      %ne3A = arith.cmpi ne, %sign3A_15, %sign3A_22 : i32
      %rem3A = arith.remsi %scan3A_8, %jit3A : i32
      %ne3A_23 = arith.constant 0 : i32
      %ne3A_24 = arith.cmpi ne, %rem3A, %ne3A_23 : i32
      %and3A = arith.andi %ne3A, %ne3A_24 : i1
      %sub3A = arith.constant 1 : i32
      %sub3A_25 = arith.subi %div3A, %sub3A : i32
      %select_n3A = arith.select %and3A, %sub3A_25, %div3A : i32
      %jit3A_26 = arith.constant 8 : i32
      %eq3A_27 = arith.constant 0 : i32
      %eq3A_28 = arith.cmpi eq, %jit3A_26, %eq3A_27 : i32
      %jit3A_29 = arith.constant 1 : i32
      %select_n3A_30 = arith.select %eq3A_28, %jit3A_29, %jit3A_26 : i32
      %rem3A_31 = arith.remsi %scan3A_8, %select_n3A_30 : i32
      %ne3A_32 = arith.constant 0 : i32
      %ne3A_33 = arith.cmpi ne, %rem3A_31, %ne3A_32 : i32
      %lt3A = arith.constant 0 : i32
      %lt3A_34 = arith.cmpi slt, %rem3A_31, %lt3A : i32
      %lt3A_35 = arith.constant 0 : i32
      %lt3A_36 = arith.cmpi slt, %select_n3A_30, %lt3A_35 : i32
      %ne3A_37 = arith.xori %lt3A_34, %lt3A_36 : i1
      %and3A_38 = arith.andi %ne3A_37, %ne3A_33 : i1
      %add3A = arith.addi %rem3A_31, %select_n3A_30 : i32
      %select_n3A_39 = arith.select %and3A_38, %add3A, %rem3A_31 : i32
      %mul3A = arith.constant 16 : i32
      %mul3A_40 = arith.muli %select_n3A_39, %mul3A : i32
      %get3A = arith.index_cast %select_n3A : i32 to index
      %get3A_41 = arith.index_cast %mul3A_40 : i32 to index
      %get3A_42 = tpu.vector_load %arg6[%get3A, %get3A_41] {strides = array<i32>} : memref<80x128xi32, #tpu.memory_space<vmem>>, vector<1x16xi32>,
      %get3A_43 = vector.shape_cast %get3A_42 : vector<1x16xi32> to vector<16xi32>
      %get3A_44 = arith.index_cast %select_n3A : i32 to index
      %get3A_45 = arith.index_cast %mul3A_40 : i32 to index
      %get3A_46 = tpu.vector_load %arg7[%get3A_44, %get3A_45] {strides = array<i32>} : memref<80x128xi32, #tpu.memory_space<vmem>>, vector<1x16xi32>,
      %get3A_47 = vector.shape_cast %get3A_46 : vector<1x16xi32> to vector<16xi32>
      %mul3A_48 = arith.constant 16 : i32
      %mul3A_49 = arith.muli %scan3A_8, %mul3A_48 : i32
      %add3A_50 = vector.broadcast %mul3A_49 : i32 to vector<16xi32>
      %add3A_51 = arith.addi %add3A_50, %iota3A : vector<16xi32>
      %lt3A_52 = arith.constant 10000 : i32
      %lt3A_53 = vector.broadcast %lt3A_52 : i32 to vector<16xi32>
      %lt3A_54 = arith.cmpi slt, %add3A_51, %lt3A_53 : vector<16xi32>
      %jit3A_55 = arith.constant 0 : i32
      %broadcast_in_dim3A = vector.broadcast %jit3A_55 : i32 to vector<16xi32>
      %select_n3A_56 = arith.select %lt3A_54, %get3A_43, %broadcast_in_dim3A : vector<16xi1>, vector<16xi32>
      %swap3A = arith.index_cast %select_n3A : i32 to index
      %swap3A_57 = arith.index_cast %mul3A_40 : i32 to index
      %swap3A_58 = tpu.vector_load %arg8[%swap3A, %swap3A_57] {strides = array<i32>} : memref<80x128xi32, #tpu.memory_space<vmem>>, vector<1x16xi32>,
      %swap3A_59 = vector.shape_cast %swap3A_58 : vector<1x16xi32> to vector<16xi32>
      %swap3A_60 = vector.shape_cast %select_n3A_56 : vector<16xi32> to vector<1x16xi32>
      tpu.vector_store %arg8[%swap3A, %swap3A_57], %swap3A_60 {strides = array<i32>} : memref<80x128xi32, #tpu.memory_space<vmem>>, vector<1x16xi32>,
      %jit3A_61 = arith.constant 10200 : i32
      %broadcast_in_dim3A_62 = vector.broadcast %jit3A_61 : i32 to vector<16xi32>
      %select_n3A_63 = arith.select %lt3A_54, %get3A_47, %broadcast_in_dim3A_62 : vector<16xi1>, vector<16xi32>
      %swap3A_64 = arith.index_cast %select_n3A : i32 to index
      %swap3A_65 = arith.index_cast %mul3A_40 : i32 to index
      %swap3A_66 = tpu.vector_load %arg9[%swap3A_64, %swap3A_65] {strides = array<i32>} : memref<80x128xi32, #tpu.memory_space<vmem>>, vector<1x16xi32>,
      %swap3A_67 = vector.shape_cast %swap3A_66 : vector<1x16xi32> to vector<16xi32>
      %swap3A_68 = vector.shape_cast %select_n3A_63 : vector<16xi32> to vector<1x16xi32>
      tpu.vector_store %arg9[%swap3A_64, %swap3A_65], %swap3A_68 {strides = array<i32>} : memref<80x128xi32, #tpu.memory_space<vmem>>, vector<1x16xi32>,
      %scan3A_69 = arith.constant 0 : i32
      scf.yield %scan3A_69 : i32
    }
    %scan3A_5 = arith.constant 640 : i32
    %eq3A = arith.constant 0 : i32
    %eq3A_6 = arith.cmpi eq, %arg0, %eq3A : i32
    %convert_element_type3A = arith.extui %eq3A_6 : i1 to i32
    %cond3A = arith.constant 0 : i32
    %cond3A_7 = arith.cmpi ne, %convert_element_type3A, %cond3A : i32
    scf.if %cond3A_7 {
      "tpu.region"() ({
        %run_scoped3A = tpu.sem_alloc : memref<!tpu.dma_semaphore, #tpu.memory_space<semaphore_mem>>
        %dma_start3A = arith.constant 0 : i32
        %dma_start3A_8 = arith.constant 0 : i32
        %dma_start3A_9 = tpu.memref_slice %arg4[%arg1, %dma_start3A, %dma_start3A_8] : memref<16x80x128xi32, #tpu.memory_space<hbm>> -> memref<1x80x128xi32, #tpu.memory_space<hbm>>
        %dma_start3A_10 = tpu.memref_squeeze %dma_start3A_9 : memref<1x80x128xi32, #tpu.memory_space<hbm>> -> memref<80x128xi32, #tpu.memory_space<hbm>>
        %dma_start3A_11 = arith.constant 0 : i32
        %dma_start3A_12 = arith.constant 0 : i32
        %dma_start3A_13 = tpu.memref_slice %arg4[%arg1, %dma_start3A_11, %dma_start3A_12] : memref<16x80x128xi32, #tpu.memory_space<hbm>> -> memref<1x80x128xi32, #tpu.memory_space<hbm>>
        %dma_start3A_14 = tpu.memref_squeeze %dma_start3A_13 : memref<1x80x128xi32, #tpu.memory_space<hbm>> -> memref<80x128xi32, #tpu.memory_space<hbm>>
        tpu.enqueue_dma source(%arg8 : memref<80x128xi32, #tpu.memory_space<vmem>>) target(%dma_start3A_14 : memref<80x128xi32, #tpu.memory_space<hbm>>) target_semaphore(%run_scoped3A : memref<!tpu.dma_semaphore, #tpu.memory_space<semaphore_mem>>)
        %dma_wait3A = arith.constant 0 : i32
        %dma_wait3A_15 = arith.constant 0 : i32
        %dma_wait3A_16 = tpu.memref_slice %arg4[%arg1, %dma_wait3A, %dma_wait3A_15] : memref<16x80x128xi32, #tpu.memory_space<hbm>> -> memref<1x80x128xi32, #tpu.memory_space<hbm>>
        %dma_wait3A_17 = tpu.memref_squeeze %dma_wait3A_16 : memref<1x80x128xi32, #tpu.memory_space<hbm>> -> memref<80x128xi32, #tpu.memory_space<hbm>>
        %dma_wait3A_18 = arith.constant 0 : i32
        %dma_wait3A_19 = arith.constant 0 : i32
        %dma_wait3A_20 = tpu.memref_slice %arg4[%arg1, %dma_wait3A_18, %dma_wait3A_19] : memref<16x80x128xi32, #tpu.memory_space<hbm>> -> memref<1x80x128xi32, #tpu.memory_space<hbm>>
        %dma_wait3A_21 = tpu.memref_squeeze %dma_wait3A_20 : memref<1x80x128xi32, #tpu.memory_space<hbm>> -> memref<80x128xi32, #tpu.memory_space<hbm>>
        tpu.wait_dma2 semaphore(%run_scoped3A : memref<!tpu.dma_semaphore, #tpu.memory_space<semaphore_mem>>) src(%arg8 : memref<80x128xi32, #tpu.memory_space<vmem>>) dst(%dma_wait3A_21 : memref<80x128xi32, #tpu.memory_space<hbm>>)
        tpu.yield
      }) : () -> ()
      "tpu.region"() ({
        %run_scoped3A = tpu.sem_alloc : memref<!tpu.dma_semaphore, #tpu.memory_space<semaphore_mem>>
        %dma_start3A = arith.constant 0 : i32
        %dma_start3A_8 = arith.constant 0 : i32
        %dma_start3A_9 = tpu.memref_slice %arg5[%arg1, %dma_start3A, %dma_start3A_8] : memref<16x80x128xi32, #tpu.memory_space<hbm>> -> memref<1x80x128xi32, #tpu.memory_space<hbm>>
        %dma_start3A_10 = tpu.memref_squeeze %dma_start3A_9 : memref<1x80x128xi32, #tpu.memory_space<hbm>> -> memref<80x128xi32, #tpu.memory_space<hbm>>
        %dma_start3A_11 = arith.constant 0 : i32
        %dma_start3A_12 = arith.constant 0 : i32
        %dma_start3A_13 = tpu.memref_slice %arg5[%arg1, %dma_start3A_11, %dma_start3A_12] : memref<16x80x128xi32, #tpu.memory_space<hbm>> -> memref<1x80x128xi32, #tpu.memory_space<hbm>>
        %dma_start3A_14 = tpu.memref_squeeze %dma_start3A_13 : memref<1x80x128xi32, #tpu.memory_space<hbm>> -> memref<80x128xi32, #tpu.memory_space<hbm>>
        tpu.enqueue_dma source(%arg9 : memref<80x128xi32, #tpu.memory_space<vmem>>) target(%dma_start3A_14 : memref<80x128xi32, #tpu.memory_space<hbm>>) target_semaphore(%run_scoped3A : memref<!tpu.dma_semaphore, #tpu.memory_space<semaphore_mem>>)
        %dma_wait3A = arith.constant 0 : i32
        %dma_wait3A_15 = arith.constant 0 : i32
        %dma_wait3A_16 = tpu.memref_slice %arg5[%arg1, %dma_wait3A, %dma_wait3A_15] : memref<16x80x128xi32, #tpu.memory_space<hbm>> -> memref<1x80x128xi32, #tpu.memory_space<hbm>>
        %dma_wait3A_17 = tpu.memref_squeeze %dma_wait3A_16 : memref<1x80x128xi32, #tpu.memory_space<hbm>> -> memref<80x128xi32, #tpu.memory_space<hbm>>
        %dma_wait3A_18 = arith.constant 0 : i32
        %dma_wait3A_19 = arith.constant 0 : i32
        %dma_wait3A_20 = tpu.memref_slice %arg5[%arg1, %dma_wait3A_18, %dma_wait3A_19] : memref<16x80x128xi32, #tpu.memory_space<hbm>> -> memref<1x80x128xi32, #tpu.memory_space<hbm>>
        %dma_wait3A_21 = tpu.memref_squeeze %dma_wait3A_20 : memref<1x80x128xi32, #tpu.memory_space<hbm>> -> memref<80x128xi32, #tpu.memory_space<hbm>>
        tpu.wait_dma2 semaphore(%run_scoped3A : memref<!tpu.dma_semaphore, #tpu.memory_space<semaphore_mem>>) src(%arg9 : memref<80x128xi32, #tpu.memory_space<vmem>>) dst(%dma_wait3A_21 : memref<80x128xi32, #tpu.memory_space<hbm>>)
        tpu.yield
      }) : () -> ()
    } else {
    }
    return
  }
}

#map = affine_map<(d0, d1) -> (0, 0, 0)>
#map1 = affine_map<(d0, d1) -> (0, 0)>
module attributes {stable_mosaic.version = 14 : i64} {
  func.func @_agg(%arg0: i32, %arg1: i32, %arg2: memref<2x10000x128xf32, #tpu.memory_space<hbm>>, %arg3: memref<16x80x128xi32, #tpu.memory_space<hbm>>, %arg4: memref<16x80x128xi32, #tpu.memory_space<hbm>>, %arg5: memref<10240x128xf32, #tpu.memory_space<hbm>>, %arg6: memref<2x10240x128xf32, #tpu.memory_space<hbm>>, %arg7: memref<80x128xi32, #tpu.memory_space<vmem>>, %arg8: memref<80x128xi32, #tpu.memory_space<vmem>>, %arg9: memref<128x128xf32, #tpu.memory_space<vmem>>, %arg10: memref<10240x128xf32, #tpu.memory_space<vmem_shared>>, %arg11: memref<!tpu.dma_semaphore, #tpu.memory_space<semaphore_mem>>) attributes {dimension_semantics = [#tpu.dimension_semantics<core_parallel>, #tpu.dimension_semantics<subcore_parallel>], iteration_bounds = array<i64: 2, 16>, scalar_prefetch = 0 : i64, scratch_operands = 5 : i64, tpu.core_type = #tpu.core_type<sc_vector_subcore>, window_params = [{transform_indices = #map}, {transform_indices = #map}, {transform_indices = #map}, {transform_indices = #map1}, {transform_indices = #map}]} {
    "tpu.region"() ({
      %run_scoped3A = tpu.sem_alloc : memref<!tpu.dma_semaphore, #tpu.memory_space<semaphore_mem>>
      %dma_start3A = arith.constant 0 : i32
      %dma_start3A_14 = arith.constant 0 : i32
      %dma_start3A_15 = tpu.memref_slice %arg3[%arg1, %dma_start3A, %dma_start3A_14] : memref<16x80x128xi32, #tpu.memory_space<hbm>> -> memref<1x80x128xi32, #tpu.memory_space<hbm>>
      %dma_start3A_16 = tpu.memref_squeeze %dma_start3A_15 : memref<1x80x128xi32, #tpu.memory_space<hbm>> -> memref<80x128xi32, #tpu.memory_space<hbm>>
      %dma_start3A_17 = arith.constant 0 : i32
      %dma_start3A_18 = arith.constant 0 : i32
      %dma_start3A_19 = tpu.memref_slice %arg3[%arg1, %dma_start3A_17, %dma_start3A_18] : memref<16x80x128xi32, #tpu.memory_space<hbm>> -> memref<1x80x128xi32, #tpu.memory_space<hbm>>
      %dma_start3A_20 = tpu.memref_squeeze %dma_start3A_19 : memref<1x80x128xi32, #tpu.memory_space<hbm>> -> memref<80x128xi32, #tpu.memory_space<hbm>>
      tpu.enqueue_dma source(%dma_start3A_20 : memref<80x128xi32, #tpu.memory_space<hbm>>) target(%arg7 : memref<80x128xi32, #tpu.memory_space<vmem>>) target_semaphore(%run_scoped3A : memref<!tpu.dma_semaphore, #tpu.memory_space<semaphore_mem>>)
      %dma_wait3A = arith.constant 0 : i32
      %dma_wait3A_21 = arith.constant 0 : i32
      %dma_wait3A_22 = tpu.memref_slice %arg3[%arg1, %dma_wait3A, %dma_wait3A_21] : memref<16x80x128xi32, #tpu.memory_space<hbm>> -> memref<1x80x128xi32, #tpu.memory_space<hbm>>
      %dma_wait3A_23 = tpu.memref_squeeze %dma_wait3A_22 : memref<1x80x128xi32, #tpu.memory_space<hbm>> -> memref<80x128xi32, #tpu.memory_space<hbm>>
      %dma_wait3A_24 = arith.constant 0 : i32
      %dma_wait3A_25 = arith.constant 0 : i32
      %dma_wait3A_26 = tpu.memref_slice %arg3[%arg1, %dma_wait3A_24, %dma_wait3A_25] : memref<16x80x128xi32, #tpu.memory_space<hbm>> -> memref<1x80x128xi32, #tpu.memory_space<hbm>>
      %dma_wait3A_27 = tpu.memref_squeeze %dma_wait3A_26 : memref<1x80x128xi32, #tpu.memory_space<hbm>> -> memref<80x128xi32, #tpu.memory_space<hbm>>
      tpu.wait_dma2 semaphore(%run_scoped3A : memref<!tpu.dma_semaphore, #tpu.memory_space<semaphore_mem>>) src(%dma_wait3A_27 : memref<80x128xi32, #tpu.memory_space<hbm>>) dst(%arg7 : memref<80x128xi32, #tpu.memory_space<vmem>>)
      tpu.yield
    }) : () -> ()
    "tpu.region"() ({
      %run_scoped3A = tpu.sem_alloc : memref<!tpu.dma_semaphore, #tpu.memory_space<semaphore_mem>>
      %dma_start3A = arith.constant 0 : i32
      %dma_start3A_14 = arith.constant 0 : i32
      %dma_start3A_15 = tpu.memref_slice %arg4[%arg1, %dma_start3A, %dma_start3A_14] : memref<16x80x128xi32, #tpu.memory_space<hbm>> -> memref<1x80x128xi32, #tpu.memory_space<hbm>>
      %dma_start3A_16 = tpu.memref_squeeze %dma_start3A_15 : memref<1x80x128xi32, #tpu.memory_space<hbm>> -> memref<80x128xi32, #tpu.memory_space<hbm>>
      %dma_start3A_17 = arith.constant 0 : i32
      %dma_start3A_18 = arith.constant 0 : i32
      %dma_start3A_19 = tpu.memref_slice %arg4[%arg1, %dma_start3A_17, %dma_start3A_18] : memref<16x80x128xi32, #tpu.memory_space<hbm>> -> memref<1x80x128xi32, #tpu.memory_space<hbm>>
      %dma_start3A_20 = tpu.memref_squeeze %dma_start3A_19 : memref<1x80x128xi32, #tpu.memory_space<hbm>> -> memref<80x128xi32, #tpu.memory_space<hbm>>
      tpu.enqueue_dma source(%dma_start3A_20 : memref<80x128xi32, #tpu.memory_space<hbm>>) target(%arg8 : memref<80x128xi32, #tpu.memory_space<vmem>>) target_semaphore(%run_scoped3A : memref<!tpu.dma_semaphore, #tpu.memory_space<semaphore_mem>>)
      %dma_wait3A = arith.constant 0 : i32
      %dma_wait3A_21 = arith.constant 0 : i32
      %dma_wait3A_22 = tpu.memref_slice %arg4[%arg1, %dma_wait3A, %dma_wait3A_21] : memref<16x80x128xi32, #tpu.memory_space<hbm>> -> memref<1x80x128xi32, #tpu.memory_space<hbm>>
      %dma_wait3A_23 = tpu.memref_squeeze %dma_wait3A_22 : memref<1x80x128xi32, #tpu.memory_space<hbm>> -> memref<80x128xi32, #tpu.memory_space<hbm>>
      %dma_wait3A_24 = arith.constant 0 : i32
      %dma_wait3A_25 = arith.constant 0 : i32
      %dma_wait3A_26 = tpu.memref_slice %arg4[%arg1, %dma_wait3A_24, %dma_wait3A_25] : memref<16x80x128xi32, #tpu.memory_space<hbm>> -> memref<1x80x128xi32, #tpu.memory_space<hbm>>
      %dma_wait3A_27 = tpu.memref_squeeze %dma_wait3A_26 : memref<1x80x128xi32, #tpu.memory_space<hbm>> -> memref<80x128xi32, #tpu.memory_space<hbm>>
      tpu.wait_dma2 semaphore(%run_scoped3A : memref<!tpu.dma_semaphore, #tpu.memory_space<semaphore_mem>>) src(%dma_wait3A_27 : memref<80x128xi32, #tpu.memory_space<hbm>>) dst(%arg8 : memref<80x128xi32, #tpu.memory_space<vmem>>)
      tpu.yield
    }) : () -> ()
    %mul3A = arith.constant 640 : i32
    %mul3A_0 = arith.muli %mul3A, %arg1 : i32
    %mul3A_1 = arith.constant 640 : i32
    %mul3A_2 = arith.muli %mul3A_1, %arg1 : i32
    "tpu.region"() ({
      %run_scoped3A = tpu.sem_alloc : memref<!tpu.dma_semaphore, #tpu.memory_space<semaphore_mem>>
      %dma_start3A = arith.constant 0 : i32
      %dma_start3A_14 = tpu.memref_slice %arg10[%mul3A_2, %dma_start3A] : memref<10240x128xf32, #tpu.memory_space<vmem_shared>> -> memref<640x128xf32, #tpu.memory_space<vmem_shared>>
      %dma_start3A_15 = arith.constant 0 : i32
      %dma_start3A_16 = tpu.memref_slice %arg5[%mul3A_0, %dma_start3A_15] : memref<10240x128xf32, #tpu.memory_space<hbm>> -> memref<640x128xf32, #tpu.memory_space<hbm>>
      tpu.enqueue_dma source(%dma_start3A_16 : memref<640x128xf32, #tpu.memory_space<hbm>>) target(%dma_start3A_14 : memref<640x128xf32, #tpu.memory_space<vmem_shared>>) target_semaphore(%run_scoped3A : memref<!tpu.dma_semaphore, #tpu.memory_space<semaphore_mem>>)
      %dma_wait3A = arith.constant 0 : i32
      %dma_wait3A_17 = tpu.memref_slice %arg10[%mul3A_2, %dma_wait3A] : memref<10240x128xf32, #tpu.memory_space<vmem_shared>> -> memref<640x128xf32, #tpu.memory_space<vmem_shared>>
      %dma_wait3A_18 = arith.constant 0 : i32
      %dma_wait3A_19 = tpu.memref_slice %arg5[%mul3A_0, %dma_wait3A_18] : memref<10240x128xf32, #tpu.memory_space<hbm>> -> memref<640x128xf32, #tpu.memory_space<hbm>>
      tpu.wait_dma2 semaphore(%run_scoped3A : memref<!tpu.dma_semaphore, #tpu.memory_space<semaphore_mem>>) src(%dma_wait3A_19 : memref<640x128xf32, #tpu.memory_space<hbm>>) dst(%dma_wait3A_17 : memref<640x128xf32, #tpu.memory_space<vmem_shared>>)
      tpu.yield
    }) : () -> ()
    %barrier3A = arith.constant 0 : index
    tpu.barrier barrier_id(%barrier3A)
    %scan3A = arith.constant 0 : i32
    %scan3A_3 = arith.constant 0 : i32
    %scan3A_4 = arith.constant 80 : i32
    %scan3A_5 = arith.addi %scan3A_3, %scan3A_4 : i32
    %scan3A_6 = arith.constant 1 : i32
    %scan3A_7 = scf.for %scan3A_14 = %scan3A_3 to %scan3A_5 step %scan3A_6 iter_args(%scan3A_15 = %scan3A) -> (i32)  : i32 {
      %eq3A = arith.constant 0 : i32
      %eq3A_16 = arith.cmpi eq, %arg0, %eq3A : i32
      %convert_element_type3A = arith.extui %eq3A_16 : i1 to i32
      %cond3A = arith.constant 0 : i32
      %cond3A_17 = arith.cmpi ne, %convert_element_type3A, %cond3A : i32
      scf.if %cond3A_17 {
        %dma_start3A = arith.constant 0 : i32
        %dma_start3A_24 = arith.constant 0 : i32
        %dma_start3A_25 = tpu.memref_slice %arg7[%scan3A_14, %dma_start3A_24] : memref<80x128xi32, #tpu.memory_space<vmem>> -> memref<1x128xi32, #tpu.memory_space<vmem>>
        %dma_start3A_26 = tpu.memref_squeeze %dma_start3A_25 : memref<1x128xi32, #tpu.memory_space<vmem>> -> memref<128xi32, #tpu.memory_space<vmem>>
        %dma_start3A_27 = arith.constant 0 : i32
        %dma_start3A_28 = arith.constant 0 : i32
        %dma_start3A_29 = tpu.memref_slice %arg2[%dma_start3A, %dma_start3A_27, %dma_start3A_28] : memref<2x10000x128xf32, #tpu.memory_space<hbm>> -> memref<1x10000x128xf32, #tpu.memory_space<hbm>>
        %dma_start3A_30 = tpu.memref_squeeze %dma_start3A_29 : memref<1x10000x128xf32, #tpu.memory_space<hbm>> -> memref<10000x128xf32, #tpu.memory_space<hbm>>
        %dma_start3A_31 = arith.constant 0 : i32
        %dma_start3A_32 = arith.constant 0 : i32
        %dma_start3A_33 = tpu.memref_slice %dma_start3A_30[%dma_start3A_31, %dma_start3A_32] : memref<10000x128xf32, #tpu.memory_space<hbm>> -> memref<10000x128xf32, #tpu.memory_space<hbm>>
        tpu.enqueue_indirect_dma source(%dma_start3A_33 : memref<10000x128xf32, #tpu.memory_space<hbm>>) target(%arg9 : memref<128x128xf32, #tpu.memory_space<vmem>>) offsets(%dma_start3A_26 : memref<128xi32, #tpu.memory_space<vmem>>) semaphore(%arg11 : memref<!tpu.dma_semaphore, #tpu.memory_space<semaphore_mem>>)
        %dma_wait3A = arith.constant 0 : i32
        %dma_wait3A_34 = arith.constant 0 : i32
        %dma_wait3A_35 = tpu.memref_slice %arg7[%scan3A_14, %dma_wait3A_34] : memref<80x128xi32, #tpu.memory_space<vmem>> -> memref<1x128xi32, #tpu.memory_space<vmem>>
        %dma_wait3A_36 = tpu.memref_squeeze %dma_wait3A_35 : memref<1x128xi32, #tpu.memory_space<vmem>> -> memref<128xi32, #tpu.memory_space<vmem>>
        %dma_wait3A_37 = arith.constant 0 : i32
        %dma_wait3A_38 = arith.constant 0 : i32
        %dma_wait3A_39 = tpu.memref_slice %arg2[%dma_wait3A, %dma_wait3A_37, %dma_wait3A_38] : memref<2x10000x128xf32, #tpu.memory_space<hbm>> -> memref<1x10000x128xf32, #tpu.memory_space<hbm>>
        %dma_wait3A_40 = tpu.memref_squeeze %dma_wait3A_39 : memref<1x10000x128xf32, #tpu.memory_space<hbm>> -> memref<10000x128xf32, #tpu.memory_space<hbm>>
        %dma_wait3A_41 = arith.constant 0 : i32
        %dma_wait3A_42 = arith.constant 0 : i32
        %dma_wait3A_43 = tpu.memref_slice %dma_wait3A_40[%dma_wait3A_41, %dma_wait3A_42] : memref<10000x128xf32, #tpu.memory_space<hbm>> -> memref<10000x128xf32, #tpu.memory_space<hbm>>
        tpu.wait_indirect_dma semaphore(%arg11 : memref<!tpu.dma_semaphore, #tpu.memory_space<semaphore_mem>>) src(%dma_wait3A_43 : memref<10000x128xf32, #tpu.memory_space<hbm>>) dst(%arg9 : memref<128x128xf32, #tpu.memory_space<vmem>>)
      } else {
      }
      %eq3A_18 = arith.constant 1 : i32
      %eq3A_19 = arith.cmpi eq, %arg0, %eq3A_18 : i32
      %convert_element_type3A_20 = arith.extui %eq3A_19 : i1 to i32
      %cond3A_21 = arith.constant 0 : i32
      %cond3A_22 = arith.cmpi ne, %convert_element_type3A_20, %cond3A_21 : i32
      scf.if %cond3A_22 {
        %dma_start3A = arith.constant 1 : i32
        %dma_start3A_24 = arith.constant 0 : i32
        %dma_start3A_25 = tpu.memref_slice %arg7[%scan3A_14, %dma_start3A_24] : memref<80x128xi32, #tpu.memory_space<vmem>> -> memref<1x128xi32, #tpu.memory_space<vmem>>
        %dma_start3A_26 = tpu.memref_squeeze %dma_start3A_25 : memref<1x128xi32, #tpu.memory_space<vmem>> -> memref<128xi32, #tpu.memory_space<vmem>>
        %dma_start3A_27 = arith.constant 0 : i32
        %dma_start3A_28 = arith.constant 0 : i32
        %dma_start3A_29 = tpu.memref_slice %arg2[%dma_start3A, %dma_start3A_27, %dma_start3A_28] : memref<2x10000x128xf32, #tpu.memory_space<hbm>> -> memref<1x10000x128xf32, #tpu.memory_space<hbm>>
        %dma_start3A_30 = tpu.memref_squeeze %dma_start3A_29 : memref<1x10000x128xf32, #tpu.memory_space<hbm>> -> memref<10000x128xf32, #tpu.memory_space<hbm>>
        %dma_start3A_31 = arith.constant 0 : i32
        %dma_start3A_32 = arith.constant 0 : i32
        %dma_start3A_33 = tpu.memref_slice %dma_start3A_30[%dma_start3A_31, %dma_start3A_32] : memref<10000x128xf32, #tpu.memory_space<hbm>> -> memref<10000x128xf32, #tpu.memory_space<hbm>>
        tpu.enqueue_indirect_dma source(%dma_start3A_33 : memref<10000x128xf32, #tpu.memory_space<hbm>>) target(%arg9 : memref<128x128xf32, #tpu.memory_space<vmem>>) offsets(%dma_start3A_26 : memref<128xi32, #tpu.memory_space<vmem>>) semaphore(%arg11 : memref<!tpu.dma_semaphore, #tpu.memory_space<semaphore_mem>>)
        %dma_wait3A = arith.constant 1 : i32
        %dma_wait3A_34 = arith.constant 0 : i32
        %dma_wait3A_35 = tpu.memref_slice %arg7[%scan3A_14, %dma_wait3A_34] : memref<80x128xi32, #tpu.memory_space<vmem>> -> memref<1x128xi32, #tpu.memory_space<vmem>>
        %dma_wait3A_36 = tpu.memref_squeeze %dma_wait3A_35 : memref<1x128xi32, #tpu.memory_space<vmem>> -> memref<128xi32, #tpu.memory_space<vmem>>
        %dma_wait3A_37 = arith.constant 0 : i32
        %dma_wait3A_38 = arith.constant 0 : i32
        %dma_wait3A_39 = tpu.memref_slice %arg2[%dma_wait3A, %dma_wait3A_37, %dma_wait3A_38] : memref<2x10000x128xf32, #tpu.memory_space<hbm>> -> memref<1x10000x128xf32, #tpu.memory_space<hbm>>
        %dma_wait3A_40 = tpu.memref_squeeze %dma_wait3A_39 : memref<1x10000x128xf32, #tpu.memory_space<hbm>> -> memref<10000x128xf32, #tpu.memory_space<hbm>>
        %dma_wait3A_41 = arith.constant 0 : i32
        %dma_wait3A_42 = arith.constant 0 : i32
        %dma_wait3A_43 = tpu.memref_slice %dma_wait3A_40[%dma_wait3A_41, %dma_wait3A_42] : memref<10000x128xf32, #tpu.memory_space<hbm>> -> memref<10000x128xf32, #tpu.memory_space<hbm>>
        tpu.wait_indirect_dma semaphore(%arg11 : memref<!tpu.dma_semaphore, #tpu.memory_space<semaphore_mem>>) src(%dma_wait3A_43 : memref<10000x128xf32, #tpu.memory_space<hbm>>) dst(%arg9 : memref<128x128xf32, #tpu.memory_space<vmem>>)
      } else {
      }
      "tpu.region"() ({
        %run_scoped3A = tpu.sem_alloc : memref<!tpu.dma_semaphore, #tpu.memory_space<semaphore_mem>>
        %dma_start3A = arith.constant 0 : i32
        %dma_start3A_24 = tpu.memref_slice %arg8[%scan3A_14, %dma_start3A] : memref<80x128xi32, #tpu.memory_space<vmem>> -> memref<1x128xi32, #tpu.memory_space<vmem>>
        %dma_start3A_25 = tpu.memref_squeeze %dma_start3A_24 : memref<1x128xi32, #tpu.memory_space<vmem>> -> memref<128xi32, #tpu.memory_space<vmem>>
        %dma_start3A_26 = arith.constant 0 : i32
        %dma_start3A_27 = arith.constant 0 : i32
        %dma_start3A_28 = tpu.memref_slice %arg10[%dma_start3A_26, %dma_start3A_27] : memref<10240x128xf32, #tpu.memory_space<vmem_shared>> -> memref<10240x128xf32, #tpu.memory_space<vmem_shared>>
        tpu.enqueue_indirect_dma source(%arg9 : memref<128x128xf32, #tpu.memory_space<vmem>>) target(%dma_start3A_28 : memref<10240x128xf32, #tpu.memory_space<vmem_shared>>) offsets(%dma_start3A_25 : memref<128xi32, #tpu.memory_space<vmem>>) semaphore(%run_scoped3A : memref<!tpu.dma_semaphore, #tpu.memory_space<semaphore_mem>>) {add = true}
        %dma_wait3A = arith.constant 0 : i32
        %dma_wait3A_29 = tpu.memref_slice %arg8[%scan3A_14, %dma_wait3A] : memref<80x128xi32, #tpu.memory_space<vmem>> -> memref<1x128xi32, #tpu.memory_space<vmem>>
        %dma_wait3A_30 = tpu.memref_squeeze %dma_wait3A_29 : memref<1x128xi32, #tpu.memory_space<vmem>> -> memref<128xi32, #tpu.memory_space<vmem>>
        %dma_wait3A_31 = arith.constant 0 : i32
        %dma_wait3A_32 = arith.constant 0 : i32
        %dma_wait3A_33 = tpu.memref_slice %arg10[%dma_wait3A_31, %dma_wait3A_32] : memref<10240x128xf32, #tpu.memory_space<vmem_shared>> -> memref<10240x128xf32, #tpu.memory_space<vmem_shared>>
        tpu.wait_indirect_dma semaphore(%run_scoped3A : memref<!tpu.dma_semaphore, #tpu.memory_space<semaphore_mem>>) src(%arg9 : memref<128x128xf32, #tpu.memory_space<vmem>>) dst(%dma_wait3A_33 : memref<10240x128xf32, #tpu.memory_space<vmem_shared>>)
        tpu.yield
      }) : () -> ()
      %scan3A_23 = arith.constant 0 : i32
      scf.yield %scan3A_23 : i32
    }
    %scan3A_8 = arith.constant 80 : i32
    %barrier3A_9 = arith.constant 0 : index
    tpu.barrier barrier_id(%barrier3A_9)
    %mul3A_10 = arith.constant 640 : i32
    %mul3A_11 = arith.muli %mul3A_10, %arg1 : i32
    %mul3A_12 = arith.constant 640 : i32
    %mul3A_13 = arith.muli %mul3A_12, %arg1 : i32
    "tpu.region"() ({
      %run_scoped3A = tpu.sem_alloc : memref<!tpu.dma_semaphore, #tpu.memory_space<semaphore_mem>>
      %dma_start3A = arith.constant 0 : i32
      %dma_start3A_14 = tpu.memref_slice %arg6[%arg0, %mul3A_13, %dma_start3A] : memref<2x10240x128xf32, #tpu.memory_space<hbm>> -> memref<1x640x128xf32, #tpu.memory_space<hbm>>
      %dma_start3A_15 = tpu.memref_squeeze %dma_start3A_14 : memref<1x640x128xf32, #tpu.memory_space<hbm>> -> memref<640x128xf32, #tpu.memory_space<hbm>>
      %dma_start3A_16 = arith.constant 0 : i32
      %dma_start3A_17 = tpu.memref_slice %arg10[%mul3A_11, %dma_start3A_16] : memref<10240x128xf32, #tpu.memory_space<vmem_shared>> -> memref<640x128xf32, #tpu.memory_space<vmem_shared>>
      tpu.enqueue_dma source(%dma_start3A_17 : memref<640x128xf32, #tpu.memory_space<vmem_shared>>) target(%dma_start3A_15 : memref<640x128xf32, #tpu.memory_space<hbm>>) target_semaphore(%run_scoped3A : memref<!tpu.dma_semaphore, #tpu.memory_space<semaphore_mem>>)
      %dma_wait3A = arith.constant 0 : i32
      %dma_wait3A_18 = tpu.memref_slice %arg6[%arg0, %mul3A_13, %dma_wait3A] : memref<2x10240x128xf32, #tpu.memory_space<hbm>> -> memref<1x640x128xf32, #tpu.memory_space<hbm>>
      %dma_wait3A_19 = tpu.memref_squeeze %dma_wait3A_18 : memref<1x640x128xf32, #tpu.memory_space<hbm>> -> memref<640x128xf32, #tpu.memory_space<hbm>>
      %dma_wait3A_20 = arith.constant 0 : i32
      %dma_wait3A_21 = tpu.memref_slice %arg10[%mul3A_11, %dma_wait3A_20] : memref<10240x128xf32, #tpu.memory_space<vmem_shared>> -> memref<640x128xf32, #tpu.memory_space<vmem_shared>>
      tpu.wait_dma2 semaphore(%run_scoped3A : memref<!tpu.dma_semaphore, #tpu.memory_space<semaphore_mem>>) src(%dma_wait3A_21 : memref<640x128xf32, #tpu.memory_space<vmem_shared>>) dst(%dma_wait3A_19 : memref<640x128xf32, #tpu.memory_space<hbm>>)
      tpu.yield
    }) : () -> ()
    return
  }
}

#map = affine_map<(d0, d1) -> (0, 0, 0)>
#map1 = affine_map<(d0, d1) -> (0, 0)>
module attributes {stable_mosaic.version = 14 : i64} {
  func.func @_agg(%arg0: i32, %arg1: i32, %arg2: memref<2x10000x128xf32, #tpu.memory_space<hbm>>, %arg3: memref<16x80x128xi32, #tpu.memory_space<hbm>>, %arg4: memref<16x80x128xi32, #tpu.memory_space<hbm>>, %arg5: memref<10240x128xf32, #tpu.memory_space<hbm>>, %arg6: memref<2x10240x128xf32, #tpu.memory_space<hbm>>, %arg7: memref<80x128xi32, #tpu.memory_space<vmem>>, %arg8: memref<80x128xi32, #tpu.memory_space<vmem>>, %arg9: memref<128x128xf32, #tpu.memory_space<vmem>>, %arg10: memref<10240x128xf32, #tpu.memory_space<vmem_shared>>, %arg11: memref<!tpu.dma_semaphore, #tpu.memory_space<semaphore_mem>>) attributes {dimension_semantics = [#tpu.dimension_semantics<core_parallel>, #tpu.dimension_semantics<subcore_parallel>], iteration_bounds = array<i64: 2, 16>, scalar_prefetch = 0 : i64, scratch_operands = 5 : i64, tpu.core_type = #tpu.core_type<sc_vector_subcore>, window_params = [{transform_indices = #map}, {transform_indices = #map}, {transform_indices = #map}, {transform_indices = #map1}, {transform_indices = #map}]} {
    "tpu.region"() ({
      %run_scoped3A = tpu.sem_alloc : memref<!tpu.dma_semaphore, #tpu.memory_space<semaphore_mem>>
      %dma_start3A = arith.constant 0 : i32
      %dma_start3A_14 = arith.constant 0 : i32
      %dma_start3A_15 = tpu.memref_slice %arg3[%arg1, %dma_start3A, %dma_start3A_14] : memref<16x80x128xi32, #tpu.memory_space<hbm>> -> memref<1x80x128xi32, #tpu.memory_space<hbm>>
      %dma_start3A_16 = tpu.memref_squeeze %dma_start3A_15 : memref<1x80x128xi32, #tpu.memory_space<hbm>> -> memref<80x128xi32, #tpu.memory_space<hbm>>
      %dma_start3A_17 = arith.constant 0 : i32
      %dma_start3A_18 = arith.constant 0 : i32
      %dma_start3A_19 = tpu.memref_slice %arg3[%arg1, %dma_start3A_17, %dma_start3A_18] : memref<16x80x128xi32, #tpu.memory_space<hbm>> -> memref<1x80x128xi32, #tpu.memory_space<hbm>>
      %dma_start3A_20 = tpu.memref_squeeze %dma_start3A_19 : memref<1x80x128xi32, #tpu.memory_space<hbm>> -> memref<80x128xi32, #tpu.memory_space<hbm>>
      tpu.enqueue_dma source(%dma_start3A_20 : memref<80x128xi32, #tpu.memory_space<hbm>>) target(%arg7 : memref<80x128xi32, #tpu.memory_space<vmem>>) target_semaphore(%run_scoped3A : memref<!tpu.dma_semaphore, #tpu.memory_space<semaphore_mem>>)
      %dma_wait3A = arith.constant 0 : i32
      %dma_wait3A_21 = arith.constant 0 : i32
      %dma_wait3A_22 = tpu.memref_slice %arg3[%arg1, %dma_wait3A, %dma_wait3A_21] : memref<16x80x128xi32, #tpu.memory_space<hbm>> -> memref<1x80x128xi32, #tpu.memory_space<hbm>>
      %dma_wait3A_23 = tpu.memref_squeeze %dma_wait3A_22 : memref<1x80x128xi32, #tpu.memory_space<hbm>> -> memref<80x128xi32, #tpu.memory_space<hbm>>
      %dma_wait3A_24 = arith.constant 0 : i32
      %dma_wait3A_25 = arith.constant 0 : i32
      %dma_wait3A_26 = tpu.memref_slice %arg3[%arg1, %dma_wait3A_24, %dma_wait3A_25] : memref<16x80x128xi32, #tpu.memory_space<hbm>> -> memref<1x80x128xi32, #tpu.memory_space<hbm>>
      %dma_wait3A_27 = tpu.memref_squeeze %dma_wait3A_26 : memref<1x80x128xi32, #tpu.memory_space<hbm>> -> memref<80x128xi32, #tpu.memory_space<hbm>>
      tpu.wait_dma2 semaphore(%run_scoped3A : memref<!tpu.dma_semaphore, #tpu.memory_space<semaphore_mem>>) src(%dma_wait3A_27 : memref<80x128xi32, #tpu.memory_space<hbm>>) dst(%arg7 : memref<80x128xi32, #tpu.memory_space<vmem>>)
      tpu.yield
    }) : () -> ()
    "tpu.region"() ({
      %run_scoped3A = tpu.sem_alloc : memref<!tpu.dma_semaphore, #tpu.memory_space<semaphore_mem>>
      %dma_start3A = arith.constant 0 : i32
      %dma_start3A_14 = arith.constant 0 : i32
      %dma_start3A_15 = tpu.memref_slice %arg4[%arg1, %dma_start3A, %dma_start3A_14] : memref<16x80x128xi32, #tpu.memory_space<hbm>> -> memref<1x80x128xi32, #tpu.memory_space<hbm>>
      %dma_start3A_16 = tpu.memref_squeeze %dma_start3A_15 : memref<1x80x128xi32, #tpu.memory_space<hbm>> -> memref<80x128xi32, #tpu.memory_space<hbm>>
      %dma_start3A_17 = arith.constant 0 : i32
      %dma_start3A_18 = arith.constant 0 : i32
      %dma_start3A_19 = tpu.memref_slice %arg4[%arg1, %dma_start3A_17, %dma_start3A_18] : memref<16x80x128xi32, #tpu.memory_space<hbm>> -> memref<1x80x128xi32, #tpu.memory_space<hbm>>
      %dma_start3A_20 = tpu.memref_squeeze %dma_start3A_19 : memref<1x80x128xi32, #tpu.memory_space<hbm>> -> memref<80x128xi32, #tpu.memory_space<hbm>>
      tpu.enqueue_dma source(%dma_start3A_20 : memref<80x128xi32, #tpu.memory_space<hbm>>) target(%arg8 : memref<80x128xi32, #tpu.memory_space<vmem>>) target_semaphore(%run_scoped3A : memref<!tpu.dma_semaphore, #tpu.memory_space<semaphore_mem>>)
      %dma_wait3A = arith.constant 0 : i32
      %dma_wait3A_21 = arith.constant 0 : i32
      %dma_wait3A_22 = tpu.memref_slice %arg4[%arg1, %dma_wait3A, %dma_wait3A_21] : memref<16x80x128xi32, #tpu.memory_space<hbm>> -> memref<1x80x128xi32, #tpu.memory_space<hbm>>
      %dma_wait3A_23 = tpu.memref_squeeze %dma_wait3A_22 : memref<1x80x128xi32, #tpu.memory_space<hbm>> -> memref<80x128xi32, #tpu.memory_space<hbm>>
      %dma_wait3A_24 = arith.constant 0 : i32
      %dma_wait3A_25 = arith.constant 0 : i32
      %dma_wait3A_26 = tpu.memref_slice %arg4[%arg1, %dma_wait3A_24, %dma_wait3A_25] : memref<16x80x128xi32, #tpu.memory_space<hbm>> -> memref<1x80x128xi32, #tpu.memory_space<hbm>>
      %dma_wait3A_27 = tpu.memref_squeeze %dma_wait3A_26 : memref<1x80x128xi32, #tpu.memory_space<hbm>> -> memref<80x128xi32, #tpu.memory_space<hbm>>
      tpu.wait_dma2 semaphore(%run_scoped3A : memref<!tpu.dma_semaphore, #tpu.memory_space<semaphore_mem>>) src(%dma_wait3A_27 : memref<80x128xi32, #tpu.memory_space<hbm>>) dst(%arg8 : memref<80x128xi32, #tpu.memory_space<vmem>>)
      tpu.yield
    }) : () -> ()
    %mul3A = arith.constant 640 : i32
    %mul3A_0 = arith.muli %mul3A, %arg1 : i32
    %mul3A_1 = arith.constant 640 : i32
    %mul3A_2 = arith.muli %mul3A_1, %arg1 : i32
    "tpu.region"() ({
      %run_scoped3A = tpu.sem_alloc : memref<!tpu.dma_semaphore, #tpu.memory_space<semaphore_mem>>
      %dma_start3A = arith.constant 0 : i32
      %dma_start3A_14 = tpu.memref_slice %arg10[%mul3A_2, %dma_start3A] : memref<10240x128xf32, #tpu.memory_space<vmem_shared>> -> memref<640x128xf32, #tpu.memory_space<vmem_shared>>
      %dma_start3A_15 = arith.constant 0 : i32
      %dma_start3A_16 = tpu.memref_slice %arg5[%mul3A_0, %dma_start3A_15] : memref<10240x128xf32, #tpu.memory_space<hbm>> -> memref<640x128xf32, #tpu.memory_space<hbm>>
      tpu.enqueue_dma source(%dma_start3A_16 : memref<640x128xf32, #tpu.memory_space<hbm>>) target(%dma_start3A_14 : memref<640x128xf32, #tpu.memory_space<vmem_shared>>) target_semaphore(%run_scoped3A : memref<!tpu.dma_semaphore, #tpu.memory_space<semaphore_mem>>)
      %dma_wait3A = arith.constant 0 : i32
      %dma_wait3A_17 = tpu.memref_slice %arg10[%mul3A_2, %dma_wait3A] : memref<10240x128xf32, #tpu.memory_space<vmem_shared>> -> memref<640x128xf32, #tpu.memory_space<vmem_shared>>
      %dma_wait3A_18 = arith.constant 0 : i32
      %dma_wait3A_19 = tpu.memref_slice %arg5[%mul3A_0, %dma_wait3A_18] : memref<10240x128xf32, #tpu.memory_space<hbm>> -> memref<640x128xf32, #tpu.memory_space<hbm>>
      tpu.wait_dma2 semaphore(%run_scoped3A : memref<!tpu.dma_semaphore, #tpu.memory_space<semaphore_mem>>) src(%dma_wait3A_19 : memref<640x128xf32, #tpu.memory_space<hbm>>) dst(%dma_wait3A_17 : memref<640x128xf32, #tpu.memory_space<vmem_shared>>)
      tpu.yield
    }) : () -> ()
    %barrier3A = arith.constant 0 : index
    tpu.barrier barrier_id(%barrier3A)
    %scan3A = arith.constant 0 : i32
    %scan3A_3 = arith.constant 0 : i32
    %scan3A_4 = arith.constant 80 : i32
    %scan3A_5 = arith.addi %scan3A_3, %scan3A_4 : i32
    %scan3A_6 = arith.constant 1 : i32
    %scan3A_7 = scf.for %scan3A_14 = %scan3A_3 to %scan3A_5 step %scan3A_6 iter_args(%scan3A_15 = %scan3A) -> (i32)  : i32 {
      %eq3A = arith.constant 0 : i32
      %eq3A_16 = arith.cmpi eq, %arg0, %eq3A : i32
      %convert_element_type3A = arith.extui %eq3A_16 : i1 to i32
      %cond3A = arith.constant 0 : i32
      %cond3A_17 = arith.cmpi ne, %convert_element_type3A, %cond3A : i32
      scf.if %cond3A_17 {
        %dma_start3A = arith.constant 0 : i32
        %dma_start3A_24 = arith.constant 0 : i32
        %dma_start3A_25 = tpu.memref_slice %arg7[%scan3A_14, %dma_start3A_24] : memref<80x128xi32, #tpu.memory_space<vmem>> -> memref<1x128xi32, #tpu.memory_space<vmem>>
        %dma_start3A_26 = tpu.memref_squeeze %dma_start3A_25 : memref<1x128xi32, #tpu.memory_space<vmem>> -> memref<128xi32, #tpu.memory_space<vmem>>
        %dma_start3A_27 = arith.constant 0 : i32
        %dma_start3A_28 = arith.constant 0 : i32
        %dma_start3A_29 = tpu.memref_slice %arg2[%dma_start3A, %dma_start3A_27, %dma_start3A_28] : memref<2x10000x128xf32, #tpu.memory_space<hbm>> -> memref<1x10000x128xf32, #tpu.memory_space<hbm>>
        %dma_start3A_30 = tpu.memref_squeeze %dma_start3A_29 : memref<1x10000x128xf32, #tpu.memory_space<hbm>> -> memref<10000x128xf32, #tpu.memory_space<hbm>>
        %dma_start3A_31 = arith.constant 0 : i32
        %dma_start3A_32 = arith.constant 0 : i32
        %dma_start3A_33 = tpu.memref_slice %dma_start3A_30[%dma_start3A_31, %dma_start3A_32] : memref<10000x128xf32, #tpu.memory_space<hbm>> -> memref<10000x128xf32, #tpu.memory_space<hbm>>
        tpu.enqueue_indirect_dma source(%dma_start3A_33 : memref<10000x128xf32, #tpu.memory_space<hbm>>) target(%arg9 : memref<128x128xf32, #tpu.memory_space<vmem>>) offsets(%dma_start3A_26 : memref<128xi32, #tpu.memory_space<vmem>>) semaphore(%arg11 : memref<!tpu.dma_semaphore, #tpu.memory_space<semaphore_mem>>)
        %dma_wait3A = arith.constant 0 : i32
        %dma_wait3A_34 = arith.constant 0 : i32
        %dma_wait3A_35 = tpu.memref_slice %arg7[%scan3A_14, %dma_wait3A_34] : memref<80x128xi32, #tpu.memory_space<vmem>> -> memref<1x128xi32, #tpu.memory_space<vmem>>
        %dma_wait3A_36 = tpu.memref_squeeze %dma_wait3A_35 : memref<1x128xi32, #tpu.memory_space<vmem>> -> memref<128xi32, #tpu.memory_space<vmem>>
        %dma_wait3A_37 = arith.constant 0 : i32
        %dma_wait3A_38 = arith.constant 0 : i32
        %dma_wait3A_39 = tpu.memref_slice %arg2[%dma_wait3A, %dma_wait3A_37, %dma_wait3A_38] : memref<2x10000x128xf32, #tpu.memory_space<hbm>> -> memref<1x10000x128xf32, #tpu.memory_space<hbm>>
        %dma_wait3A_40 = tpu.memref_squeeze %dma_wait3A_39 : memref<1x10000x128xf32, #tpu.memory_space<hbm>> -> memref<10000x128xf32, #tpu.memory_space<hbm>>
        %dma_wait3A_41 = arith.constant 0 : i32
        %dma_wait3A_42 = arith.constant 0 : i32
        %dma_wait3A_43 = tpu.memref_slice %dma_wait3A_40[%dma_wait3A_41, %dma_wait3A_42] : memref<10000x128xf32, #tpu.memory_space<hbm>> -> memref<10000x128xf32, #tpu.memory_space<hbm>>
        tpu.wait_indirect_dma semaphore(%arg11 : memref<!tpu.dma_semaphore, #tpu.memory_space<semaphore_mem>>) src(%dma_wait3A_43 : memref<10000x128xf32, #tpu.memory_space<hbm>>) dst(%arg9 : memref<128x128xf32, #tpu.memory_space<vmem>>)
      } else {
      }
      %eq3A_18 = arith.constant 1 : i32
      %eq3A_19 = arith.cmpi eq, %arg0, %eq3A_18 : i32
      %convert_element_type3A_20 = arith.extui %eq3A_19 : i1 to i32
      %cond3A_21 = arith.constant 0 : i32
      %cond3A_22 = arith.cmpi ne, %convert_element_type3A_20, %cond3A_21 : i32
      scf.if %cond3A_22 {
        %dma_start3A = arith.constant 1 : i32
        %dma_start3A_24 = arith.constant 0 : i32
        %dma_start3A_25 = tpu.memref_slice %arg7[%scan3A_14, %dma_start3A_24] : memref<80x128xi32, #tpu.memory_space<vmem>> -> memref<1x128xi32, #tpu.memory_space<vmem>>
        %dma_start3A_26 = tpu.memref_squeeze %dma_start3A_25 : memref<1x128xi32, #tpu.memory_space<vmem>> -> memref<128xi32, #tpu.memory_space<vmem>>
        %dma_start3A_27 = arith.constant 0 : i32
        %dma_start3A_28 = arith.constant 0 : i32
        %dma_start3A_29 = tpu.memref_slice %arg2[%dma_start3A, %dma_start3A_27, %dma_start3A_28] : memref<2x10000x128xf32, #tpu.memory_space<hbm>> -> memref<1x10000x128xf32, #tpu.memory_space<hbm>>
        %dma_start3A_30 = tpu.memref_squeeze %dma_start3A_29 : memref<1x10000x128xf32, #tpu.memory_space<hbm>> -> memref<10000x128xf32, #tpu.memory_space<hbm>>
        %dma_start3A_31 = arith.constant 0 : i32
        %dma_start3A_32 = arith.constant 0 : i32
        %dma_start3A_33 = tpu.memref_slice %dma_start3A_30[%dma_start3A_31, %dma_start3A_32] : memref<10000x128xf32, #tpu.memory_space<hbm>> -> memref<10000x128xf32, #tpu.memory_space<hbm>>
        tpu.enqueue_indirect_dma source(%dma_start3A_33 : memref<10000x128xf32, #tpu.memory_space<hbm>>) target(%arg9 : memref<128x128xf32, #tpu.memory_space<vmem>>) offsets(%dma_start3A_26 : memref<128xi32, #tpu.memory_space<vmem>>) semaphore(%arg11 : memref<!tpu.dma_semaphore, #tpu.memory_space<semaphore_mem>>)
        %dma_wait3A = arith.constant 1 : i32
        %dma_wait3A_34 = arith.constant 0 : i32
        %dma_wait3A_35 = tpu.memref_slice %arg7[%scan3A_14, %dma_wait3A_34] : memref<80x128xi32, #tpu.memory_space<vmem>> -> memref<1x128xi32, #tpu.memory_space<vmem>>
        %dma_wait3A_36 = tpu.memref_squeeze %dma_wait3A_35 : memref<1x128xi32, #tpu.memory_space<vmem>> -> memref<128xi32, #tpu.memory_space<vmem>>
        %dma_wait3A_37 = arith.constant 0 : i32
        %dma_wait3A_38 = arith.constant 0 : i32
        %dma_wait3A_39 = tpu.memref_slice %arg2[%dma_wait3A, %dma_wait3A_37, %dma_wait3A_38] : memref<2x10000x128xf32, #tpu.memory_space<hbm>> -> memref<1x10000x128xf32, #tpu.memory_space<hbm>>
        %dma_wait3A_40 = tpu.memref_squeeze %dma_wait3A_39 : memref<1x10000x128xf32, #tpu.memory_space<hbm>> -> memref<10000x128xf32, #tpu.memory_space<hbm>>
        %dma_wait3A_41 = arith.constant 0 : i32
        %dma_wait3A_42 = arith.constant 0 : i32
        %dma_wait3A_43 = tpu.memref_slice %dma_wait3A_40[%dma_wait3A_41, %dma_wait3A_42] : memref<10000x128xf32, #tpu.memory_space<hbm>> -> memref<10000x128xf32, #tpu.memory_space<hbm>>
        tpu.wait_indirect_dma semaphore(%arg11 : memref<!tpu.dma_semaphore, #tpu.memory_space<semaphore_mem>>) src(%dma_wait3A_43 : memref<10000x128xf32, #tpu.memory_space<hbm>>) dst(%arg9 : memref<128x128xf32, #tpu.memory_space<vmem>>)
      } else {
      }
      "tpu.region"() ({
        %run_scoped3A = tpu.sem_alloc : memref<!tpu.dma_semaphore, #tpu.memory_space<semaphore_mem>>
        %dma_start3A = arith.constant 0 : i32
        %dma_start3A_24 = tpu.memref_slice %arg8[%scan3A_14, %dma_start3A] : memref<80x128xi32, #tpu.memory_space<vmem>> -> memref<1x128xi32, #tpu.memory_space<vmem>>
        %dma_start3A_25 = tpu.memref_squeeze %dma_start3A_24 : memref<1x128xi32, #tpu.memory_space<vmem>> -> memref<128xi32, #tpu.memory_space<vmem>>
        %dma_start3A_26 = arith.constant 0 : i32
        %dma_start3A_27 = arith.constant 0 : i32
        %dma_start3A_28 = tpu.memref_slice %arg10[%dma_start3A_26, %dma_start3A_27] : memref<10240x128xf32, #tpu.memory_space<vmem_shared>> -> memref<10240x128xf32, #tpu.memory_space<vmem_shared>>
        tpu.enqueue_indirect_dma source(%arg9 : memref<128x128xf32, #tpu.memory_space<vmem>>) target(%dma_start3A_28 : memref<10240x128xf32, #tpu.memory_space<vmem_shared>>) offsets(%dma_start3A_25 : memref<128xi32, #tpu.memory_space<vmem>>) semaphore(%run_scoped3A : memref<!tpu.dma_semaphore, #tpu.memory_space<semaphore_mem>>) {add = true}
        %dma_wait3A = arith.constant 0 : i32
        %dma_wait3A_29 = tpu.memref_slice %arg8[%scan3A_14, %dma_wait3A] : memref<80x128xi32, #tpu.memory_space<vmem>> -> memref<1x128xi32, #tpu.memory_space<vmem>>
        %dma_wait3A_30 = tpu.memref_squeeze %dma_wait3A_29 : memref<1x128xi32, #tpu.memory_space<vmem>> -> memref<128xi32, #tpu.memory_space<vmem>>
        %dma_wait3A_31 = arith.constant 0 : i32
        %dma_wait3A_32 = arith.constant 0 : i32
        %dma_wait3A_33 = tpu.memref_slice %arg10[%dma_wait3A_31, %dma_wait3A_32] : memref<10240x128xf32, #tpu.memory_space<vmem_shared>> -> memref<10240x128xf32, #tpu.memory_space<vmem_shared>>
        tpu.wait_indirect_dma semaphore(%run_scoped3A : memref<!tpu.dma_semaphore, #tpu.memory_space<semaphore_mem>>) src(%arg9 : memref<128x128xf32, #tpu.memory_space<vmem>>) dst(%dma_wait3A_33 : memref<10240x128xf32, #tpu.memory_space<vmem_shared>>)
        tpu.yield
      }) : () -> ()
      %scan3A_23 = arith.constant 0 : i32
      scf.yield %scan3A_23 : i32
    }
    %scan3A_8 = arith.constant 80 : i32
    %barrier3A_9 = arith.constant 0 : index
    tpu.barrier barrier_id(%barrier3A_9)
    %mul3A_10 = arith.constant 640 : i32
    %mul3A_11 = arith.muli %mul3A_10, %arg1 : i32
    %mul3A_12 = arith.constant 640 : i32
    %mul3A_13 = arith.muli %mul3A_12, %arg1 : i32
    "tpu.region"() ({
      %run_scoped3A = tpu.sem_alloc : memref<!tpu.dma_semaphore, #tpu.memory_space<semaphore_mem>>
      %dma_start3A = arith.constant 0 : i32
      %dma_start3A_14 = tpu.memref_slice %arg6[%arg0, %mul3A_13, %dma_start3A] : memref<2x10240x128xf32, #tpu.memory_space<hbm>> -> memref<1x640x128xf32, #tpu.memory_space<hbm>>
      %dma_start3A_15 = tpu.memref_squeeze %dma_start3A_14 : memref<1x640x128xf32, #tpu.memory_space<hbm>> -> memref<640x128xf32, #tpu.memory_space<hbm>>
      %dma_start3A_16 = arith.constant 0 : i32
      %dma_start3A_17 = tpu.memref_slice %arg10[%mul3A_11, %dma_start3A_16] : memref<10240x128xf32, #tpu.memory_space<vmem_shared>> -> memref<640x128xf32, #tpu.memory_space<vmem_shared>>
      tpu.enqueue_dma source(%dma_start3A_17 : memref<640x128xf32, #tpu.memory_space<vmem_shared>>) target(%dma_start3A_15 : memref<640x128xf32, #tpu.memory_space<hbm>>) target_semaphore(%run_scoped3A : memref<!tpu.dma_semaphore, #tpu.memory_space<semaphore_mem>>)
      %dma_wait3A = arith.constant 0 : i32
      %dma_wait3A_18 = tpu.memref_slice %arg6[%arg0, %mul3A_13, %dma_wait3A] : memref<2x10240x128xf32, #tpu.memory_space<hbm>> -> memref<1x640x128xf32, #tpu.memory_space<hbm>>
      %dma_wait3A_19 = tpu.memref_squeeze %dma_wait3A_18 : memref<1x640x128xf32, #tpu.memory_space<hbm>> -> memref<640x128xf32, #tpu.memory_space<hbm>>
      %dma_wait3A_20 = arith.constant 0 : i32
      %dma_wait3A_21 = tpu.memref_slice %arg10[%mul3A_11, %dma_wait3A_20] : memref<10240x128xf32, #tpu.memory_space<vmem_shared>> -> memref<640x128xf32, #tpu.memory_space<vmem_shared>>
      tpu.wait_dma2 semaphore(%run_scoped3A : memref<!tpu.dma_semaphore, #tpu.memory_space<semaphore_mem>>) src(%dma_wait3A_21 : memref<640x128xf32, #tpu.memory_space<vmem_shared>>) dst(%dma_wait3A_19 : memref<640x128xf32, #tpu.memory_space<hbm>>)
      tpu.yield
    }) : () -> ()
    return
  }
}

#map = affine_map<(d0, d1) -> (0, 0, 0)>
#map1 = affine_map<(d0, d1) -> (0, 0)>
module attributes {stable_mosaic.version = 14 : i64} {
  func.func @_agg(%arg0: i32, %arg1: i32, %arg2: memref<2x10000x128xf32, #tpu.memory_space<hbm>>, %arg3: memref<16x80x128xi32, #tpu.memory_space<hbm>>, %arg4: memref<16x80x128xi32, #tpu.memory_space<hbm>>, %arg5: memref<10240x128xf32, #tpu.memory_space<hbm>>, %arg6: memref<2x10240x128xf32, #tpu.memory_space<hbm>>, %arg7: memref<80x128xi32, #tpu.memory_space<vmem>>, %arg8: memref<80x128xi32, #tpu.memory_space<vmem>>, %arg9: memref<128x128xf32, #tpu.memory_space<vmem>>, %arg10: memref<10240x128xf32, #tpu.memory_space<vmem_shared>>, %arg11: memref<!tpu.dma_semaphore, #tpu.memory_space<semaphore_mem>>) attributes {dimension_semantics = [#tpu.dimension_semantics<core_parallel>, #tpu.dimension_semantics<subcore_parallel>], iteration_bounds = array<i64: 2, 16>, scalar_prefetch = 0 : i64, scratch_operands = 5 : i64, tpu.core_type = #tpu.core_type<sc_vector_subcore>, window_params = [{transform_indices = #map}, {transform_indices = #map}, {transform_indices = #map}, {transform_indices = #map1}, {transform_indices = #map}]} {
    "tpu.region"() ({
      %run_scoped3A = tpu.sem_alloc : memref<!tpu.dma_semaphore, #tpu.memory_space<semaphore_mem>>
      %dma_start3A = arith.constant 0 : i32
      %dma_start3A_14 = arith.constant 0 : i32
      %dma_start3A_15 = tpu.memref_slice %arg3[%arg1, %dma_start3A, %dma_start3A_14] : memref<16x80x128xi32, #tpu.memory_space<hbm>> -> memref<1x80x128xi32, #tpu.memory_space<hbm>>
      %dma_start3A_16 = tpu.memref_squeeze %dma_start3A_15 : memref<1x80x128xi32, #tpu.memory_space<hbm>> -> memref<80x128xi32, #tpu.memory_space<hbm>>
      %dma_start3A_17 = arith.constant 0 : i32
      %dma_start3A_18 = arith.constant 0 : i32
      %dma_start3A_19 = tpu.memref_slice %arg3[%arg1, %dma_start3A_17, %dma_start3A_18] : memref<16x80x128xi32, #tpu.memory_space<hbm>> -> memref<1x80x128xi32, #tpu.memory_space<hbm>>
      %dma_start3A_20 = tpu.memref_squeeze %dma_start3A_19 : memref<1x80x128xi32, #tpu.memory_space<hbm>> -> memref<80x128xi32, #tpu.memory_space<hbm>>
      tpu.enqueue_dma source(%dma_start3A_20 : memref<80x128xi32, #tpu.memory_space<hbm>>) target(%arg7 : memref<80x128xi32, #tpu.memory_space<vmem>>) target_semaphore(%run_scoped3A : memref<!tpu.dma_semaphore, #tpu.memory_space<semaphore_mem>>)
      %dma_wait3A = arith.constant 0 : i32
      %dma_wait3A_21 = arith.constant 0 : i32
      %dma_wait3A_22 = tpu.memref_slice %arg3[%arg1, %dma_wait3A, %dma_wait3A_21] : memref<16x80x128xi32, #tpu.memory_space<hbm>> -> memref<1x80x128xi32, #tpu.memory_space<hbm>>
      %dma_wait3A_23 = tpu.memref_squeeze %dma_wait3A_22 : memref<1x80x128xi32, #tpu.memory_space<hbm>> -> memref<80x128xi32, #tpu.memory_space<hbm>>
      %dma_wait3A_24 = arith.constant 0 : i32
      %dma_wait3A_25 = arith.constant 0 : i32
      %dma_wait3A_26 = tpu.memref_slice %arg3[%arg1, %dma_wait3A_24, %dma_wait3A_25] : memref<16x80x128xi32, #tpu.memory_space<hbm>> -> memref<1x80x128xi32, #tpu.memory_space<hbm>>
      %dma_wait3A_27 = tpu.memref_squeeze %dma_wait3A_26 : memref<1x80x128xi32, #tpu.memory_space<hbm>> -> memref<80x128xi32, #tpu.memory_space<hbm>>
      tpu.wait_dma2 semaphore(%run_scoped3A : memref<!tpu.dma_semaphore, #tpu.memory_space<semaphore_mem>>) src(%dma_wait3A_27 : memref<80x128xi32, #tpu.memory_space<hbm>>) dst(%arg7 : memref<80x128xi32, #tpu.memory_space<vmem>>)
      tpu.yield
    }) : () -> ()
    "tpu.region"() ({
      %run_scoped3A = tpu.sem_alloc : memref<!tpu.dma_semaphore, #tpu.memory_space<semaphore_mem>>
      %dma_start3A = arith.constant 0 : i32
      %dma_start3A_14 = arith.constant 0 : i32
      %dma_start3A_15 = tpu.memref_slice %arg4[%arg1, %dma_start3A, %dma_start3A_14] : memref<16x80x128xi32, #tpu.memory_space<hbm>> -> memref<1x80x128xi32, #tpu.memory_space<hbm>>
      %dma_start3A_16 = tpu.memref_squeeze %dma_start3A_15 : memref<1x80x128xi32, #tpu.memory_space<hbm>> -> memref<80x128xi32, #tpu.memory_space<hbm>>
      %dma_start3A_17 = arith.constant 0 : i32
      %dma_start3A_18 = arith.constant 0 : i32
      %dma_start3A_19 = tpu.memref_slice %arg4[%arg1, %dma_start3A_17, %dma_start3A_18] : memref<16x80x128xi32, #tpu.memory_space<hbm>> -> memref<1x80x128xi32, #tpu.memory_space<hbm>>
      %dma_start3A_20 = tpu.memref_squeeze %dma_start3A_19 : memref<1x80x128xi32, #tpu.memory_space<hbm>> -> memref<80x128xi32, #tpu.memory_space<hbm>>
      tpu.enqueue_dma source(%dma_start3A_20 : memref<80x128xi32, #tpu.memory_space<hbm>>) target(%arg8 : memref<80x128xi32, #tpu.memory_space<vmem>>) target_semaphore(%run_scoped3A : memref<!tpu.dma_semaphore, #tpu.memory_space<semaphore_mem>>)
      %dma_wait3A = arith.constant 0 : i32
      %dma_wait3A_21 = arith.constant 0 : i32
      %dma_wait3A_22 = tpu.memref_slice %arg4[%arg1, %dma_wait3A, %dma_wait3A_21] : memref<16x80x128xi32, #tpu.memory_space<hbm>> -> memref<1x80x128xi32, #tpu.memory_space<hbm>>
      %dma_wait3A_23 = tpu.memref_squeeze %dma_wait3A_22 : memref<1x80x128xi32, #tpu.memory_space<hbm>> -> memref<80x128xi32, #tpu.memory_space<hbm>>
      %dma_wait3A_24 = arith.constant 0 : i32
      %dma_wait3A_25 = arith.constant 0 : i32
      %dma_wait3A_26 = tpu.memref_slice %arg4[%arg1, %dma_wait3A_24, %dma_wait3A_25] : memref<16x80x128xi32, #tpu.memory_space<hbm>> -> memref<1x80x128xi32, #tpu.memory_space<hbm>>
      %dma_wait3A_27 = tpu.memref_squeeze %dma_wait3A_26 : memref<1x80x128xi32, #tpu.memory_space<hbm>> -> memref<80x128xi32, #tpu.memory_space<hbm>>
      tpu.wait_dma2 semaphore(%run_scoped3A : memref<!tpu.dma_semaphore, #tpu.memory_space<semaphore_mem>>) src(%dma_wait3A_27 : memref<80x128xi32, #tpu.memory_space<hbm>>) dst(%arg8 : memref<80x128xi32, #tpu.memory_space<vmem>>)
      tpu.yield
    }) : () -> ()
    %mul3A = arith.constant 640 : i32
    %mul3A_0 = arith.muli %mul3A, %arg1 : i32
    %mul3A_1 = arith.constant 640 : i32
    %mul3A_2 = arith.muli %mul3A_1, %arg1 : i32
    "tpu.region"() ({
      %run_scoped3A = tpu.sem_alloc : memref<!tpu.dma_semaphore, #tpu.memory_space<semaphore_mem>>
      %dma_start3A = arith.constant 0 : i32
      %dma_start3A_14 = tpu.memref_slice %arg10[%mul3A_2, %dma_start3A] : memref<10240x128xf32, #tpu.memory_space<vmem_shared>> -> memref<640x128xf32, #tpu.memory_space<vmem_shared>>
      %dma_start3A_15 = arith.constant 0 : i32
      %dma_start3A_16 = tpu.memref_slice %arg5[%mul3A_0, %dma_start3A_15] : memref<10240x128xf32, #tpu.memory_space<hbm>> -> memref<640x128xf32, #tpu.memory_space<hbm>>
      tpu.enqueue_dma source(%dma_start3A_16 : memref<640x128xf32, #tpu.memory_space<hbm>>) target(%dma_start3A_14 : memref<640x128xf32, #tpu.memory_space<vmem_shared>>) target_semaphore(%run_scoped3A : memref<!tpu.dma_semaphore, #tpu.memory_space<semaphore_mem>>)
      %dma_wait3A = arith.constant 0 : i32
      %dma_wait3A_17 = tpu.memref_slice %arg10[%mul3A_2, %dma_wait3A] : memref<10240x128xf32, #tpu.memory_space<vmem_shared>> -> memref<640x128xf32, #tpu.memory_space<vmem_shared>>
      %dma_wait3A_18 = arith.constant 0 : i32
      %dma_wait3A_19 = tpu.memref_slice %arg5[%mul3A_0, %dma_wait3A_18] : memref<10240x128xf32, #tpu.memory_space<hbm>> -> memref<640x128xf32, #tpu.memory_space<hbm>>
      tpu.wait_dma2 semaphore(%run_scoped3A : memref<!tpu.dma_semaphore, #tpu.memory_space<semaphore_mem>>) src(%dma_wait3A_19 : memref<640x128xf32, #tpu.memory_space<hbm>>) dst(%dma_wait3A_17 : memref<640x128xf32, #tpu.memory_space<vmem_shared>>)
      tpu.yield
    }) : () -> ()
    %barrier3A = arith.constant 0 : index
    tpu.barrier barrier_id(%barrier3A)
    %scan3A = arith.constant 0 : i32
    %scan3A_3 = arith.constant 0 : i32
    %scan3A_4 = arith.constant 80 : i32
    %scan3A_5 = arith.addi %scan3A_3, %scan3A_4 : i32
    %scan3A_6 = arith.constant 1 : i32
    %scan3A_7 = scf.for %scan3A_14 = %scan3A_3 to %scan3A_5 step %scan3A_6 iter_args(%scan3A_15 = %scan3A) -> (i32)  : i32 {
      %eq3A = arith.constant 0 : i32
      %eq3A_16 = arith.cmpi eq, %arg0, %eq3A : i32
      %convert_element_type3A = arith.extui %eq3A_16 : i1 to i32
      %cond3A = arith.constant 0 : i32
      %cond3A_17 = arith.cmpi ne, %convert_element_type3A, %cond3A : i32
      scf.if %cond3A_17 {
        %dma_start3A = arith.constant 0 : i32
        %dma_start3A_24 = arith.constant 0 : i32
        %dma_start3A_25 = tpu.memref_slice %arg7[%scan3A_14, %dma_start3A_24] : memref<80x128xi32, #tpu.memory_space<vmem>> -> memref<1x128xi32, #tpu.memory_space<vmem>>
        %dma_start3A_26 = tpu.memref_squeeze %dma_start3A_25 : memref<1x128xi32, #tpu.memory_space<vmem>> -> memref<128xi32, #tpu.memory_space<vmem>>
        %dma_start3A_27 = arith.constant 0 : i32
        %dma_start3A_28 = arith.constant 0 : i32
        %dma_start3A_29 = tpu.memref_slice %arg2[%dma_start3A, %dma_start3A_27, %dma_start3A_28] : memref<2x10000x128xf32, #tpu.memory_space<hbm>> -> memref<1x10000x128xf32, #tpu.memory_space<hbm>>
        %dma_start3A_30 = tpu.memref_squeeze %dma_start3A_29 : memref<1x10000x128xf32, #tpu.memory_space<hbm>> -> memref<10000x128xf32, #tpu.memory_space<hbm>>
        %dma_start3A_31 = arith.constant 0 : i32
        %dma_start3A_32 = arith.constant 0 : i32
        %dma_start3A_33 = tpu.memref_slice %dma_start3A_30[%dma_start3A_31, %dma_start3A_32] : memref<10000x128xf32, #tpu.memory_space<hbm>> -> memref<10000x128xf32, #tpu.memory_space<hbm>>
        tpu.enqueue_indirect_dma source(%dma_start3A_33 : memref<10000x128xf32, #tpu.memory_space<hbm>>) target(%arg9 : memref<128x128xf32, #tpu.memory_space<vmem>>) offsets(%dma_start3A_26 : memref<128xi32, #tpu.memory_space<vmem>>) semaphore(%arg11 : memref<!tpu.dma_semaphore, #tpu.memory_space<semaphore_mem>>)
        %dma_wait3A = arith.constant 0 : i32
        %dma_wait3A_34 = arith.constant 0 : i32
        %dma_wait3A_35 = tpu.memref_slice %arg7[%scan3A_14, %dma_wait3A_34] : memref<80x128xi32, #tpu.memory_space<vmem>> -> memref<1x128xi32, #tpu.memory_space<vmem>>
        %dma_wait3A_36 = tpu.memref_squeeze %dma_wait3A_35 : memref<1x128xi32, #tpu.memory_space<vmem>> -> memref<128xi32, #tpu.memory_space<vmem>>
        %dma_wait3A_37 = arith.constant 0 : i32
        %dma_wait3A_38 = arith.constant 0 : i32
        %dma_wait3A_39 = tpu.memref_slice %arg2[%dma_wait3A, %dma_wait3A_37, %dma_wait3A_38] : memref<2x10000x128xf32, #tpu.memory_space<hbm>> -> memref<1x10000x128xf32, #tpu.memory_space<hbm>>
        %dma_wait3A_40 = tpu.memref_squeeze %dma_wait3A_39 : memref<1x10000x128xf32, #tpu.memory_space<hbm>> -> memref<10000x128xf32, #tpu.memory_space<hbm>>
        %dma_wait3A_41 = arith.constant 0 : i32
        %dma_wait3A_42 = arith.constant 0 : i32
        %dma_wait3A_43 = tpu.memref_slice %dma_wait3A_40[%dma_wait3A_41, %dma_wait3A_42] : memref<10000x128xf32, #tpu.memory_space<hbm>> -> memref<10000x128xf32, #tpu.memory_space<hbm>>
        tpu.wait_indirect_dma semaphore(%arg11 : memref<!tpu.dma_semaphore, #tpu.memory_space<semaphore_mem>>) src(%dma_wait3A_43 : memref<10000x128xf32, #tpu.memory_space<hbm>>) dst(%arg9 : memref<128x128xf32, #tpu.memory_space<vmem>>)
      } else {
      }
      %eq3A_18 = arith.constant 1 : i32
      %eq3A_19 = arith.cmpi eq, %arg0, %eq3A_18 : i32
      %convert_element_type3A_20 = arith.extui %eq3A_19 : i1 to i32
      %cond3A_21 = arith.constant 0 : i32
      %cond3A_22 = arith.cmpi ne, %convert_element_type3A_20, %cond3A_21 : i32
      scf.if %cond3A_22 {
        %dma_start3A = arith.constant 1 : i32
        %dma_start3A_24 = arith.constant 0 : i32
        %dma_start3A_25 = tpu.memref_slice %arg7[%scan3A_14, %dma_start3A_24] : memref<80x128xi32, #tpu.memory_space<vmem>> -> memref<1x128xi32, #tpu.memory_space<vmem>>
        %dma_start3A_26 = tpu.memref_squeeze %dma_start3A_25 : memref<1x128xi32, #tpu.memory_space<vmem>> -> memref<128xi32, #tpu.memory_space<vmem>>
        %dma_start3A_27 = arith.constant 0 : i32
        %dma_start3A_28 = arith.constant 0 : i32
        %dma_start3A_29 = tpu.memref_slice %arg2[%dma_start3A, %dma_start3A_27, %dma_start3A_28] : memref<2x10000x128xf32, #tpu.memory_space<hbm>> -> memref<1x10000x128xf32, #tpu.memory_space<hbm>>
        %dma_start3A_30 = tpu.memref_squeeze %dma_start3A_29 : memref<1x10000x128xf32, #tpu.memory_space<hbm>> -> memref<10000x128xf32, #tpu.memory_space<hbm>>
        %dma_start3A_31 = arith.constant 0 : i32
        %dma_start3A_32 = arith.constant 0 : i32
        %dma_start3A_33 = tpu.memref_slice %dma_start3A_30[%dma_start3A_31, %dma_start3A_32] : memref<10000x128xf32, #tpu.memory_space<hbm>> -> memref<10000x128xf32, #tpu.memory_space<hbm>>
        tpu.enqueue_indirect_dma source(%dma_start3A_33 : memref<10000x128xf32, #tpu.memory_space<hbm>>) target(%arg9 : memref<128x128xf32, #tpu.memory_space<vmem>>) offsets(%dma_start3A_26 : memref<128xi32, #tpu.memory_space<vmem>>) semaphore(%arg11 : memref<!tpu.dma_semaphore, #tpu.memory_space<semaphore_mem>>)
        %dma_wait3A = arith.constant 1 : i32
        %dma_wait3A_34 = arith.constant 0 : i32
        %dma_wait3A_35 = tpu.memref_slice %arg7[%scan3A_14, %dma_wait3A_34] : memref<80x128xi32, #tpu.memory_space<vmem>> -> memref<1x128xi32, #tpu.memory_space<vmem>>
        %dma_wait3A_36 = tpu.memref_squeeze %dma_wait3A_35 : memref<1x128xi32, #tpu.memory_space<vmem>> -> memref<128xi32, #tpu.memory_space<vmem>>
        %dma_wait3A_37 = arith.constant 0 : i32
        %dma_wait3A_38 = arith.constant 0 : i32
        %dma_wait3A_39 = tpu.memref_slice %arg2[%dma_wait3A, %dma_wait3A_37, %dma_wait3A_38] : memref<2x10000x128xf32, #tpu.memory_space<hbm>> -> memref<1x10000x128xf32, #tpu.memory_space<hbm>>
        %dma_wait3A_40 = tpu.memref_squeeze %dma_wait3A_39 : memref<1x10000x128xf32, #tpu.memory_space<hbm>> -> memref<10000x128xf32, #tpu.memory_space<hbm>>
        %dma_wait3A_41 = arith.constant 0 : i32
        %dma_wait3A_42 = arith.constant 0 : i32
        %dma_wait3A_43 = tpu.memref_slice %dma_wait3A_40[%dma_wait3A_41, %dma_wait3A_42] : memref<10000x128xf32, #tpu.memory_space<hbm>> -> memref<10000x128xf32, #tpu.memory_space<hbm>>
        tpu.wait_indirect_dma semaphore(%arg11 : memref<!tpu.dma_semaphore, #tpu.memory_space<semaphore_mem>>) src(%dma_wait3A_43 : memref<10000x128xf32, #tpu.memory_space<hbm>>) dst(%arg9 : memref<128x128xf32, #tpu.memory_space<vmem>>)
      } else {
      }
      "tpu.region"() ({
        %run_scoped3A = tpu.sem_alloc : memref<!tpu.dma_semaphore, #tpu.memory_space<semaphore_mem>>
        %dma_start3A = arith.constant 0 : i32
        %dma_start3A_24 = tpu.memref_slice %arg8[%scan3A_14, %dma_start3A] : memref<80x128xi32, #tpu.memory_space<vmem>> -> memref<1x128xi32, #tpu.memory_space<vmem>>
        %dma_start3A_25 = tpu.memref_squeeze %dma_start3A_24 : memref<1x128xi32, #tpu.memory_space<vmem>> -> memref<128xi32, #tpu.memory_space<vmem>>
        %dma_start3A_26 = arith.constant 0 : i32
        %dma_start3A_27 = arith.constant 0 : i32
        %dma_start3A_28 = tpu.memref_slice %arg10[%dma_start3A_26, %dma_start3A_27] : memref<10240x128xf32, #tpu.memory_space<vmem_shared>> -> memref<10240x128xf32, #tpu.memory_space<vmem_shared>>
        tpu.enqueue_indirect_dma source(%arg9 : memref<128x128xf32, #tpu.memory_space<vmem>>) target(%dma_start3A_28 : memref<10240x128xf32, #tpu.memory_space<vmem_shared>>) offsets(%dma_start3A_25 : memref<128xi32, #tpu.memory_space<vmem>>) semaphore(%run_scoped3A : memref<!tpu.dma_semaphore, #tpu.memory_space<semaphore_mem>>) {add = true}
        %dma_wait3A = arith.constant 0 : i32
        %dma_wait3A_29 = tpu.memref_slice %arg8[%scan3A_14, %dma_wait3A] : memref<80x128xi32, #tpu.memory_space<vmem>> -> memref<1x128xi32, #tpu.memory_space<vmem>>
        %dma_wait3A_30 = tpu.memref_squeeze %dma_wait3A_29 : memref<1x128xi32, #tpu.memory_space<vmem>> -> memref<128xi32, #tpu.memory_space<vmem>>
        %dma_wait3A_31 = arith.constant 0 : i32
        %dma_wait3A_32 = arith.constant 0 : i32
        %dma_wait3A_33 = tpu.memref_slice %arg10[%dma_wait3A_31, %dma_wait3A_32] : memref<10240x128xf32, #tpu.memory_space<vmem_shared>> -> memref<10240x128xf32, #tpu.memory_space<vmem_shared>>
        tpu.wait_indirect_dma semaphore(%run_scoped3A : memref<!tpu.dma_semaphore, #tpu.memory_space<semaphore_mem>>) src(%arg9 : memref<128x128xf32, #tpu.memory_space<vmem>>) dst(%dma_wait3A_33 : memref<10240x128xf32, #tpu.memory_space<vmem_shared>>)
        tpu.yield
      }) : () -> ()
      %scan3A_23 = arith.constant 0 : i32
      scf.yield %scan3A_23 : i32
    }
    %scan3A_8 = arith.constant 80 : i32
    %barrier3A_9 = arith.constant 0 : index
    tpu.barrier barrier_id(%barrier3A_9)
    %mul3A_10 = arith.constant 640 : i32
    %mul3A_11 = arith.muli %mul3A_10, %arg1 : i32
    %mul3A_12 = arith.constant 640 : i32
    %mul3A_13 = arith.muli %mul3A_12, %arg1 : i32
    "tpu.region"() ({
      %run_scoped3A = tpu.sem_alloc : memref<!tpu.dma_semaphore, #tpu.memory_space<semaphore_mem>>
      %dma_start3A = arith.constant 0 : i32
      %dma_start3A_14 = tpu.memref_slice %arg6[%arg0, %mul3A_13, %dma_start3A] : memref<2x10240x128xf32, #tpu.memory_space<hbm>> -> memref<1x640x128xf32, #tpu.memory_space<hbm>>
      %dma_start3A_15 = tpu.memref_squeeze %dma_start3A_14 : memref<1x640x128xf32, #tpu.memory_space<hbm>> -> memref<640x128xf32, #tpu.memory_space<hbm>>
      %dma_start3A_16 = arith.constant 0 : i32
      %dma_start3A_17 = tpu.memref_slice %arg10[%mul3A_11, %dma_start3A_16] : memref<10240x128xf32, #tpu.memory_space<vmem_shared>> -> memref<640x128xf32, #tpu.memory_space<vmem_shared>>
      tpu.enqueue_dma source(%dma_start3A_17 : memref<640x128xf32, #tpu.memory_space<vmem_shared>>) target(%dma_start3A_15 : memref<640x128xf32, #tpu.memory_space<hbm>>) target_semaphore(%run_scoped3A : memref<!tpu.dma_semaphore, #tpu.memory_space<semaphore_mem>>)
      %dma_wait3A = arith.constant 0 : i32
      %dma_wait3A_18 = tpu.memref_slice %arg6[%arg0, %mul3A_13, %dma_wait3A] : memref<2x10240x128xf32, #tpu.memory_space<hbm>> -> memref<1x640x128xf32, #tpu.memory_space<hbm>>
      %dma_wait3A_19 = tpu.memref_squeeze %dma_wait3A_18 : memref<1x640x128xf32, #tpu.memory_space<hbm>> -> memref<640x128xf32, #tpu.memory_space<hbm>>
      %dma_wait3A_20 = arith.constant 0 : i32
      %dma_wait3A_21 = tpu.memref_slice %arg10[%mul3A_11, %dma_wait3A_20] : memref<10240x128xf32, #tpu.memory_space<vmem_shared>> -> memref<640x128xf32, #tpu.memory_space<vmem_shared>>
      tpu.wait_dma2 semaphore(%run_scoped3A : memref<!tpu.dma_semaphore, #tpu.memory_space<semaphore_mem>>) src(%dma_wait3A_21 : memref<640x128xf32, #tpu.memory_space<vmem_shared>>) dst(%dma_wait3A_19 : memref<640x128xf32, #tpu.memory_space<hbm>>)
      tpu.yield
    }) : () -> ()
    return
  }
}

module attributes {stable_mosaic.version = 14 : i64} {
  func.func @_enc_body(%arg0: i32, %arg1: memref<2000x128xf32, #tpu.memory_space<vmem>>, %arg2: memref<2000x256xf32, #tpu.memory_space<vmem>>, %arg3: memref<256x256xf32, #tpu.memory_space<vmem>>, %arg4: memref<1x256xf32, #tpu.memory_space<vmem>>, %arg5: memref<256x256xf32, #tpu.memory_space<vmem>>, %arg6: memref<2x2000x128xf32, #tpu.memory_space<vmem>>, %arg7: memref<2000x1xf32, #tpu.memory_space<vmem>>) attributes {dimension_semantics = [#tpu.dimension_semantics<arbitrary>], iteration_bounds = array<i64: 5>, scalar_prefetch = 0 : i64, scratch_operands = 0 : i64, tpu.core_type = #tpu.core_type<tc>, window_params = [{transform_indices = @transform_0, window_bounds = array<i64: 2000, 128>}, {transform_indices = @transform_1, window_bounds = array<i64: 2000, 256>}, {pipeline_mode = #tpu.pipeline_mode<synchronous>, transform_indices = @transform_2, window_bounds = array<i64: 256, 256>}, {pipeline_mode = #tpu.pipeline_mode<synchronous>, transform_indices = @transform_3, window_bounds = array<i64: 1, 256>}, {pipeline_mode = #tpu.pipeline_mode<synchronous>, transform_indices = @transform_4, window_bounds = array<i64: 256, 256>}, {transform_indices = @transform_5, window_bounds = array<i64: 2, 2000, 128>}, {transform_indices = @transform_6, window_bounds = array<i64: 2000, 1>}]} {
    %get3A = arith.constant 0 : index
    %get3A_0 = arith.constant 0 : index
    %get3A_1 = vector.load %arg1[%get3A, %get3A_0] : memref<2000x128xf32, #tpu.memory_space<vmem>>, vector<2000x1xf32>
    %add3A = arith.constant 1.000000e+00 : f32
    %add3A_2 = vector.broadcast %add3A : f32 to vector<2000x1xf32>
    %add3A_3 = arith.addf %get3A_1, %add3A_2 : vector<2000x1xf32>
    %rsqrt3A = math.rsqrt %add3A_3 : vector<2000x1xf32>
    %get3A_4 = arith.constant 0 : index
    %get3A_5 = arith.constant 0 : index
    %get3A_6 = vector.load %arg2[%get3A_4, %get3A_5] : memref<2000x256xf32, #tpu.memory_space<vmem>>, vector<2000x256xf32>
    %get3A_7 = arith.constant 0 : index
    %get3A_8 = arith.constant 0 : index
    %get3A_9 = vector.load %arg3[%get3A_7, %get3A_8] : memref<256x256xf32, #tpu.memory_space<vmem>>, vector<256x256xf32>
    %dot_general3A = arith.constant dense<0.000000e+00> : vector<2000x256xf32>
    %dot_general3A_10 = tpu.matmul %get3A_6, %get3A_9, %dot_general3A {dimension_numbers = #tpu.dot_dimension_numbers<[1], [0], [0], [1], [0, 0, 1, 1], [], []>, transpose_lhs_hint = false} : vector<2000x256xf32>, vector<256x256xf32>, vector<2000x256xf32> -> vector<2000x256xf32>
    %get3A_11 = arith.constant 0 : index
    %get3A_12 = arith.constant 0 : index
    %get3A_13 = vector.load %arg4[%get3A_11, %get3A_12] : memref<1x256xf32, #tpu.memory_space<vmem>>, vector<1x256xf32>
    %add3A_14 = vector.broadcast %get3A_13 : vector<1x256xf32> to vector<2000x256xf32>
    %add3A_15 = arith.addf %dot_general3A_10, %add3A_14 : vector<2000x256xf32>
    %max3A = arith.constant 0.000000e+00 : f32
    %max3A_16 = vector.broadcast %max3A : f32 to vector<2000x256xf32>
    %max3A_17 = arith.maximumf %add3A_15, %max3A_16 : vector<2000x256xf32>
    %get3A_18 = arith.constant 0 : index
    %get3A_19 = arith.constant 0 : index
    %get3A_20 = vector.load %arg5[%get3A_18, %get3A_19] : memref<256x256xf32, #tpu.memory_space<vmem>>, vector<256x256xf32>
    %dot_general3A_21 = arith.constant dense<0.000000e+00> : vector<2000x256xf32>
    %dot_general3A_22 = tpu.matmul %max3A_17, %get3A_20, %dot_general3A_21 {dimension_numbers = #tpu.dot_dimension_numbers<[1], [0], [0], [1], [0, 0, 1, 1], [], []>, transpose_lhs_hint = false} : vector<2000x256xf32>, vector<256x256xf32>, vector<2000x256xf32> -> vector<2000x256xf32>
    %mul3A = vector.broadcast %rsqrt3A : vector<2000x1xf32> to vector<2000x256xf32>
    %mul3A_23 = arith.mulf %dot_general3A_22, %mul3A : vector<2000x256xf32>
    %slice3A = vector.extract_strided_slice %mul3A_23 {offsets = [0, 0], sizes = [2000, 128], strides = [1, 1]} : vector<2000x256xf32> to vector<2000x128xf32>
    %swap3A = arith.constant 0 : index
    %swap3A_24 = arith.constant 0 : index
    %swap3A_25 = arith.constant 0 : index
    %swap3A_26 = vector.load %arg6[%swap3A, %swap3A_24, %swap3A_25] : memref<2x2000x128xf32, #tpu.memory_space<vmem>>, vector<1x2000x128xf32>
    %swap3A_27 = vector.shape_cast %swap3A_26 : vector<1x2000x128xf32> to vector<2000x128xf32>
    %swap3A_28 = vector.shape_cast %slice3A : vector<2000x128xf32> to vector<1x2000x128xf32>
    tpu.vector_store %arg6[%swap3A, %swap3A_24, %swap3A_25], %swap3A_28 {strides = array<i32>} : memref<2x2000x128xf32, #tpu.memory_space<vmem>>, vector<1x2000x128xf32>,
    %slice3A_29 = vector.extract_strided_slice %mul3A_23 {offsets = [0, 128], sizes = [2000, 128], strides = [1, 1]} : vector<2000x256xf32> to vector<2000x128xf32>
    %swap3A_30 = arith.constant 1 : index
    %swap3A_31 = arith.constant 0 : index
    %swap3A_32 = arith.constant 0 : index
    %swap3A_33 = vector.load %arg6[%swap3A_30, %swap3A_31, %swap3A_32] : memref<2x2000x128xf32, #tpu.memory_space<vmem>>, vector<1x2000x128xf32>
    %swap3A_34 = vector.shape_cast %swap3A_33 : vector<1x2000x128xf32> to vector<2000x128xf32>
    %swap3A_35 = vector.shape_cast %slice3A_29 : vector<2000x128xf32> to vector<1x2000x128xf32>
    tpu.vector_store %arg6[%swap3A_30, %swap3A_31, %swap3A_32], %swap3A_35 {strides = array<i32>} : memref<2x2000x128xf32, #tpu.memory_space<vmem>>, vector<1x2000x128xf32>,
    %swap3A_36 = arith.constant 0 : index
    %swap3A_37 = arith.constant 0 : index
    %swap3A_38 = vector.load %arg7[%swap3A_36, %swap3A_37] : memref<2000x1xf32, #tpu.memory_space<vmem>>, vector<2000x1xf32>
    tpu.vector_store %arg7[%swap3A_36, %swap3A_37], %rsqrt3A {strides = array<i32>} : memref<2000x1xf32, #tpu.memory_space<vmem>>, vector<2000x1xf32>,
    return
  }
  func.func @transform_0(%arg0: i32) -> (i32, i32) {
    %c0_i32 = arith.constant 0 : i32
    %c0_i32_0 = arith.constant 0 : i32
    return %arg0, %c0_i32 : i32, i32
  }
  func.func @transform_1(%arg0: i32) -> (i32, i32) {
    %c0_i32 = arith.constant 0 : i32
    %c0_i32_0 = arith.constant 0 : i32
    return %arg0, %c0_i32 : i32, i32
  }
  func.func @transform_2(%arg0: i32) -> (i32, i32) {
    %c0_i32 = arith.constant 0 : i32
    %c0_i32_0 = arith.constant 0 : i32
    %c0_i32_1 = arith.constant 0 : i32
    return %c0_i32, %c0_i32_0 : i32, i32
  }
  func.func @transform_3(%arg0: i32) -> (i32, i32) {
    %c0_i32 = arith.constant 0 : i32
    %c0_i32_0 = arith.constant 0 : i32
    %c0_i32_1 = arith.constant 0 : i32
    return %c0_i32, %c0_i32_0 : i32, i32
  }
  func.func @transform_4(%arg0: i32) -> (i32, i32) {
    %c0_i32 = arith.constant 0 : i32
    %c0_i32_0 = arith.constant 0 : i32
    %c0_i32_1 = arith.constant 0 : i32
    return %c0_i32, %c0_i32_0 : i32, i32
  }
  func.func @transform_5(%arg0: i32) -> (i32, i32, i32) {
    %c0_i32 = arith.constant 0 : i32
    %c0_i32_0 = arith.constant 0 : i32
    %c0_i32_1 = arith.constant 0 : i32
    return %c0_i32, %arg0, %c0_i32_0 : i32, i32, i32
  }
  func.func @transform_6(%arg0: i32) -> (i32, i32) {
    %c0_i32 = arith.constant 0 : i32
    %c0_i32_0 = arith.constant 0 : i32
    return %arg0, %c0_i32 : i32, i32
  }
}

module attributes {stable_mosaic.version = 14 : i64} {
  func.func @_mid_body(%arg0: i32, %arg1: memref<1x1000x128xf32, #tpu.memory_space<vmem>>, %arg2: memref<1x1000x128xf32, #tpu.memory_space<vmem>>, %arg3: memref<2x1000x128xf32, #tpu.memory_space<vmem>>, %arg4: memref<1000x1xf32, #tpu.memory_space<vmem>>, %arg5: memref<1x256xf32, #tpu.memory_space<vmem>>, %arg6: memref<256x256xf32, #tpu.memory_space<vmem>>, %arg7: memref<1x256xf32, #tpu.memory_space<vmem>>, %arg8: memref<256x256xf32, #tpu.memory_space<vmem>>, %arg9: memref<2x1000x128xf32, #tpu.memory_space<vmem>>) attributes {dimension_semantics = [#tpu.dimension_semantics<arbitrary>], iteration_bounds = array<i64: 10>, scalar_prefetch = 0 : i64, scratch_operands = 0 : i64, tpu.core_type = #tpu.core_type<tc>, window_params = [{transform_indices = @transform_0, window_bounds = array<i64: 1, 1000, 128>}, {transform_indices = @transform_1, window_bounds = array<i64: 1, 1000, 128>}, {transform_indices = @transform_2, window_bounds = array<i64: 2, 1000, 128>}, {transform_indices = @transform_3, window_bounds = array<i64: 1000, 1>}, {pipeline_mode = #tpu.pipeline_mode<synchronous>, transform_indices = @transform_4, window_bounds = array<i64: 1, 256>}, {pipeline_mode = #tpu.pipeline_mode<synchronous>, transform_indices = @transform_5, window_bounds = array<i64: 256, 256>}, {pipeline_mode = #tpu.pipeline_mode<synchronous>, transform_indices = @transform_6, window_bounds = array<i64: 1, 256>}, {pipeline_mode = #tpu.pipeline_mode<synchronous>, transform_indices = @transform_7, window_bounds = array<i64: 256, 256>}, {transform_indices = @transform_8, window_bounds = array<i64: 2, 1000, 128>}]} {
    %get3A = arith.constant 0 : index
    %get3A_0 = arith.constant 0 : index
    %get3A_1 = vector.load %arg4[%get3A, %get3A_0] : memref<1000x1xf32, #tpu.memory_space<vmem>>, vector<1000x1xf32>
    %get3A_2 = arith.constant 0 : index
    %get3A_3 = arith.constant 0 : index
    %get3A_4 = arith.constant 0 : index
    %get3A_5 = vector.load %arg1[%get3A_2, %get3A_3, %get3A_4] : memref<1x1000x128xf32, #tpu.memory_space<vmem>>, vector<1x1000x128xf32>
    %get3A_6 = vector.shape_cast %get3A_5 : vector<1x1000x128xf32> to vector<1000x128xf32>
    %get3A_7 = arith.constant 0 : index
    %get3A_8 = arith.constant 0 : index
    %get3A_9 = arith.constant 0 : index
    %get3A_10 = vector.load %arg3[%get3A_7, %get3A_8, %get3A_9] : memref<2x1000x128xf32, #tpu.memory_space<vmem>>, vector<1x1000x128xf32>
    %get3A_11 = vector.shape_cast %get3A_10 : vector<1x1000x128xf32> to vector<1000x128xf32>
    %add3A = arith.addf %get3A_6, %get3A_11 : vector<1000x128xf32>
    %mul3A = vector.broadcast %get3A_1 : vector<1000x1xf32> to vector<1000x128xf32>
    %mul3A_12 = arith.mulf %add3A, %mul3A : vector<1000x128xf32>
    %get3A_13 = arith.constant 0 : index
    %get3A_14 = arith.constant 0 : index
    %get3A_15 = vector.load %arg5[%get3A_13, %get3A_14] : memref<1x256xf32, #tpu.memory_space<vmem>>, vector<1x128xf32>
    %add3A_16 = vector.broadcast %get3A_15 : vector<1x128xf32> to vector<1000x128xf32>
    %add3A_17 = arith.addf %mul3A_12, %add3A_16 : vector<1000x128xf32>
    %get3A_18 = arith.constant 0 : index
    %get3A_19 = arith.constant 0 : index
    %get3A_20 = arith.constant 0 : index
    %get3A_21 = vector.load %arg2[%get3A_18, %get3A_19, %get3A_20] : memref<1x1000x128xf32, #tpu.memory_space<vmem>>, vector<1x1000x128xf32>
    %get3A_22 = vector.shape_cast %get3A_21 : vector<1x1000x128xf32> to vector<1000x128xf32>
    %get3A_23 = arith.constant 1 : index
    %get3A_24 = arith.constant 0 : index
    %get3A_25 = arith.constant 0 : index
    %get3A_26 = vector.load %arg3[%get3A_23, %get3A_24, %get3A_25] : memref<2x1000x128xf32, #tpu.memory_space<vmem>>, vector<1x1000x128xf32>
    %get3A_27 = vector.shape_cast %get3A_26 : vector<1x1000x128xf32> to vector<1000x128xf32>
    %add3A_28 = arith.addf %get3A_22, %get3A_27 : vector<1000x128xf32>
    %mul3A_29 = vector.broadcast %get3A_1 : vector<1000x1xf32> to vector<1000x128xf32>
    %mul3A_30 = arith.mulf %add3A_28, %mul3A_29 : vector<1000x128xf32>
    %get3A_31 = arith.constant 0 : index
    %get3A_32 = arith.constant 128 : index
    %get3A_33 = vector.load %arg5[%get3A_31, %get3A_32] : memref<1x256xf32, #tpu.memory_space<vmem>>, vector<1x128xf32>
    %add3A_34 = vector.broadcast %get3A_33 : vector<1x128xf32> to vector<1000x128xf32>
    %add3A_35 = arith.addf %mul3A_30, %add3A_34 : vector<1000x128xf32>
    %get3A_36 = arith.constant 0 : index
    %get3A_37 = arith.constant 0 : index
    %get3A_38 = vector.load %arg6[%get3A_36, %get3A_37] : memref<256x256xf32, #tpu.memory_space<vmem>>, vector<128x256xf32>
    %dot_general3A = arith.constant dense<0.000000e+00> : vector<1000x256xf32>
    %dot_general3A_39 = tpu.matmul %add3A_17, %get3A_38, %dot_general3A {dimension_numbers = #tpu.dot_dimension_numbers<[1], [0], [0], [1], [0, 0, 1, 1], [], []>, transpose_lhs_hint = false} : vector<1000x128xf32>, vector<128x256xf32>, vector<1000x256xf32> -> vector<1000x256xf32>
    %get3A_40 = arith.constant 128 : index
    %get3A_41 = arith.constant 0 : index
    %get3A_42 = vector.load %arg6[%get3A_40, %get3A_41] : memref<256x256xf32, #tpu.memory_space<vmem>>, vector<128x256xf32>
    %dot_general3A_43 = arith.constant dense<0.000000e+00> : vector<1000x256xf32>
    %dot_general3A_44 = tpu.matmul %add3A_35, %get3A_42, %dot_general3A_43 {dimension_numbers = #tpu.dot_dimension_numbers<[1], [0], [0], [1], [0, 0, 1, 1], [], []>, transpose_lhs_hint = false} : vector<1000x128xf32>, vector<128x256xf32>, vector<1000x256xf32> -> vector<1000x256xf32>
    %add3A_45 = arith.addf %dot_general3A_39, %dot_general3A_44 : vector<1000x256xf32>
    %get3A_46 = arith.constant 0 : index
    %get3A_47 = arith.constant 0 : index
    %get3A_48 = vector.load %arg7[%get3A_46, %get3A_47] : memref<1x256xf32, #tpu.memory_space<vmem>>, vector<1x256xf32>
    %add3A_49 = vector.broadcast %get3A_48 : vector<1x256xf32> to vector<1000x256xf32>
    %add3A_50 = arith.addf %add3A_45, %add3A_49 : vector<1000x256xf32>
    %max3A = arith.constant 0.000000e+00 : f32
    %max3A_51 = vector.broadcast %max3A : f32 to vector<1000x256xf32>
    %max3A_52 = arith.maximumf %add3A_50, %max3A_51 : vector<1000x256xf32>
    %get3A_53 = arith.constant 0 : index
    %get3A_54 = arith.constant 0 : index
    %get3A_55 = vector.load %arg8[%get3A_53, %get3A_54] : memref<256x256xf32, #tpu.memory_space<vmem>>, vector<256x256xf32>
    %dot_general3A_56 = arith.constant dense<0.000000e+00> : vector<1000x256xf32>
    %dot_general3A_57 = tpu.matmul %max3A_52, %get3A_55, %dot_general3A_56 {dimension_numbers = #tpu.dot_dimension_numbers<[1], [0], [0], [1], [0, 0, 1, 1], [], []>, transpose_lhs_hint = false} : vector<1000x256xf32>, vector<256x256xf32>, vector<1000x256xf32> -> vector<1000x256xf32>
    %mul3A_58 = vector.broadcast %get3A_1 : vector<1000x1xf32> to vector<1000x256xf32>
    %mul3A_59 = arith.mulf %dot_general3A_57, %mul3A_58 : vector<1000x256xf32>
    %slice3A = vector.extract_strided_slice %mul3A_59 {offsets = [0, 0], sizes = [1000, 128], strides = [1, 1]} : vector<1000x256xf32> to vector<1000x128xf32>
    %swap3A = arith.constant 0 : index
    %swap3A_60 = arith.constant 0 : index
    %swap3A_61 = arith.constant 0 : index
    %swap3A_62 = vector.load %arg9[%swap3A, %swap3A_60, %swap3A_61] : memref<2x1000x128xf32, #tpu.memory_space<vmem>>, vector<1x1000x128xf32>
    %swap3A_63 = vector.shape_cast %swap3A_62 : vector<1x1000x128xf32> to vector<1000x128xf32>
    %swap3A_64 = vector.shape_cast %slice3A : vector<1000x128xf32> to vector<1x1000x128xf32>
    tpu.vector_store %arg9[%swap3A, %swap3A_60, %swap3A_61], %swap3A_64 {strides = array<i32>} : memref<2x1000x128xf32, #tpu.memory_space<vmem>>, vector<1x1000x128xf32>,
    %slice3A_65 = vector.extract_strided_slice %mul3A_59 {offsets = [0, 128], sizes = [1000, 128], strides = [1, 1]} : vector<1000x256xf32> to vector<1000x128xf32>
    %swap3A_66 = arith.constant 1 : index
    %swap3A_67 = arith.constant 0 : index
    %swap3A_68 = arith.constant 0 : index
    %swap3A_69 = vector.load %arg9[%swap3A_66, %swap3A_67, %swap3A_68] : memref<2x1000x128xf32, #tpu.memory_space<vmem>>, vector<1x1000x128xf32>
    %swap3A_70 = vector.shape_cast %swap3A_69 : vector<1x1000x128xf32> to vector<1000x128xf32>
    %swap3A_71 = vector.shape_cast %slice3A_65 : vector<1000x128xf32> to vector<1x1000x128xf32>
    tpu.vector_store %arg9[%swap3A_66, %swap3A_67, %swap3A_68], %swap3A_71 {strides = array<i32>} : memref<2x1000x128xf32, #tpu.memory_space<vmem>>, vector<1x1000x128xf32>,
    return
  }
  func.func @transform_0(%arg0: i32) -> (i32, i32, i32) {
    %c0_i32 = arith.constant 0 : i32
    %c0_i32_0 = arith.constant 0 : i32
    %c0_i32_1 = arith.constant 0 : i32
    return %c0_i32, %arg0, %c0_i32_0 : i32, i32, i32
  }
  func.func @transform_1(%arg0: i32) -> (i32, i32, i32) {
    %c1_i32 = arith.constant 1 : i32
    %c0_i32 = arith.constant 0 : i32
    %c0_i32_0 = arith.constant 0 : i32
    return %c1_i32, %arg0, %c0_i32 : i32, i32, i32
  }
  func.func @transform_2(%arg0: i32) -> (i32, i32, i32) {
    %c0_i32 = arith.constant 0 : i32
    %c0_i32_0 = arith.constant 0 : i32
    %c0_i32_1 = arith.constant 0 : i32
    return %c0_i32, %arg0, %c0_i32_0 : i32, i32, i32
  }
  func.func @transform_3(%arg0: i32) -> (i32, i32) {
    %c0_i32 = arith.constant 0 : i32
    %c0_i32_0 = arith.constant 0 : i32
    return %arg0, %c0_i32 : i32, i32
  }
  func.func @transform_4(%arg0: i32) -> (i32, i32) {
    %c0_i32 = arith.constant 0 : i32
    %c0_i32_0 = arith.constant 0 : i32
    %c0_i32_1 = arith.constant 0 : i32
    return %c0_i32, %c0_i32_0 : i32, i32
  }
  func.func @transform_5(%arg0: i32) -> (i32, i32) {
    %c0_i32 = arith.constant 0 : i32
    %c0_i32_0 = arith.constant 0 : i32
    %c0_i32_1 = arith.constant 0 : i32
    return %c0_i32, %c0_i32_0 : i32, i32
  }
  func.func @transform_6(%arg0: i32) -> (i32, i32) {
    %c0_i32 = arith.constant 0 : i32
    %c0_i32_0 = arith.constant 0 : i32
    %c0_i32_1 = arith.constant 0 : i32
    return %c0_i32, %c0_i32_0 : i32, i32
  }
  func.func @transform_7(%arg0: i32) -> (i32, i32) {
    %c0_i32 = arith.constant 0 : i32
    %c0_i32_0 = arith.constant 0 : i32
    %c0_i32_1 = arith.constant 0 : i32
    return %c0_i32, %c0_i32_0 : i32, i32
  }
  func.func @transform_8(%arg0: i32) -> (i32, i32, i32) {
    %c0_i32 = arith.constant 0 : i32
    %c0_i32_0 = arith.constant 0 : i32
    %c0_i32_1 = arith.constant 0 : i32
    return %c0_i32, %arg0, %c0_i32_0 : i32, i32, i32
  }
}

module attributes {stable_mosaic.version = 14 : i64} {
  func.func @_fin_body(%arg0: i32, %arg1: memref<1x1000x128xf32, #tpu.memory_space<vmem>>, %arg2: memref<1x1000x128xf32, #tpu.memory_space<vmem>>, %arg3: memref<2x1000x128xf32, #tpu.memory_space<vmem>>, %arg4: memref<1000x1xf32, #tpu.memory_space<vmem>>, %arg5: memref<1x256xf32, #tpu.memory_space<vmem>>, %arg6: memref<256x256xf32, #tpu.memory_space<vmem>>, %arg7: memref<1x256xf32, #tpu.memory_space<vmem>>, %arg8: memref<1000x256xf32, #tpu.memory_space<vmem>>) attributes {dimension_semantics = [#tpu.dimension_semantics<arbitrary>], iteration_bounds = array<i64: 10>, scalar_prefetch = 0 : i64, scratch_operands = 0 : i64, tpu.core_type = #tpu.core_type<tc>, window_params = [{transform_indices = @transform_0, window_bounds = array<i64: 1, 1000, 128>}, {transform_indices = @transform_1, window_bounds = array<i64: 1, 1000, 128>}, {transform_indices = @transform_2, window_bounds = array<i64: 2, 1000, 128>}, {transform_indices = @transform_3, window_bounds = array<i64: 1000, 1>}, {pipeline_mode = #tpu.pipeline_mode<synchronous>, transform_indices = @transform_4, window_bounds = array<i64: 1, 256>}, {pipeline_mode = #tpu.pipeline_mode<synchronous>, transform_indices = @transform_5, window_bounds = array<i64: 256, 256>}, {pipeline_mode = #tpu.pipeline_mode<synchronous>, transform_indices = @transform_6, window_bounds = array<i64: 1, 256>}, {transform_indices = @transform_7, window_bounds = array<i64: 1000, 256>}]} {
    %get3A = arith.constant 0 : index
    %get3A_0 = arith.constant 0 : index
    %get3A_1 = vector.load %arg4[%get3A, %get3A_0] : memref<1000x1xf32, #tpu.memory_space<vmem>>, vector<1000x1xf32>
    %get3A_2 = arith.constant 0 : index
    %get3A_3 = arith.constant 0 : index
    %get3A_4 = arith.constant 0 : index
    %get3A_5 = vector.load %arg1[%get3A_2, %get3A_3, %get3A_4] : memref<1x1000x128xf32, #tpu.memory_space<vmem>>, vector<1x1000x128xf32>
    %get3A_6 = vector.shape_cast %get3A_5 : vector<1x1000x128xf32> to vector<1000x128xf32>
    %get3A_7 = arith.constant 0 : index
    %get3A_8 = arith.constant 0 : index
    %get3A_9 = arith.constant 0 : index
    %get3A_10 = vector.load %arg3[%get3A_7, %get3A_8, %get3A_9] : memref<2x1000x128xf32, #tpu.memory_space<vmem>>, vector<1x1000x128xf32>
    %get3A_11 = vector.shape_cast %get3A_10 : vector<1x1000x128xf32> to vector<1000x128xf32>
    %add3A = arith.addf %get3A_6, %get3A_11 : vector<1000x128xf32>
    %mul3A = vector.broadcast %get3A_1 : vector<1000x1xf32> to vector<1000x128xf32>
    %mul3A_12 = arith.mulf %add3A, %mul3A : vector<1000x128xf32>
    %get3A_13 = arith.constant 0 : index
    %get3A_14 = arith.constant 0 : index
    %get3A_15 = vector.load %arg5[%get3A_13, %get3A_14] : memref<1x256xf32, #tpu.memory_space<vmem>>, vector<1x128xf32>
    %add3A_16 = vector.broadcast %get3A_15 : vector<1x128xf32> to vector<1000x128xf32>
    %add3A_17 = arith.addf %mul3A_12, %add3A_16 : vector<1000x128xf32>
    %get3A_18 = arith.constant 0 : index
    %get3A_19 = arith.constant 0 : index
    %get3A_20 = arith.constant 0 : index
    %get3A_21 = vector.load %arg2[%get3A_18, %get3A_19, %get3A_20] : memref<1x1000x128xf32, #tpu.memory_space<vmem>>, vector<1x1000x128xf32>
    %get3A_22 = vector.shape_cast %get3A_21 : vector<1x1000x128xf32> to vector<1000x128xf32>
    %get3A_23 = arith.constant 1 : index
    %get3A_24 = arith.constant 0 : index
    %get3A_25 = arith.constant 0 : index
    %get3A_26 = vector.load %arg3[%get3A_23, %get3A_24, %get3A_25] : memref<2x1000x128xf32, #tpu.memory_space<vmem>>, vector<1x1000x128xf32>
    %get3A_27 = vector.shape_cast %get3A_26 : vector<1x1000x128xf32> to vector<1000x128xf32>
    %add3A_28 = arith.addf %get3A_22, %get3A_27 : vector<1000x128xf32>
    %mul3A_29 = vector.broadcast %get3A_1 : vector<1000x1xf32> to vector<1000x128xf32>
    %mul3A_30 = arith.mulf %add3A_28, %mul3A_29 : vector<1000x128xf32>
    %get3A_31 = arith.constant 0 : index
    %get3A_32 = arith.constant 128 : index
    %get3A_33 = vector.load %arg5[%get3A_31, %get3A_32] : memref<1x256xf32, #tpu.memory_space<vmem>>, vector<1x128xf32>
    %add3A_34 = vector.broadcast %get3A_33 : vector<1x128xf32> to vector<1000x128xf32>
    %add3A_35 = arith.addf %mul3A_30, %add3A_34 : vector<1000x128xf32>
    %get3A_36 = arith.constant 0 : index
    %get3A_37 = arith.constant 0 : index
    %get3A_38 = vector.load %arg6[%get3A_36, %get3A_37] : memref<256x256xf32, #tpu.memory_space<vmem>>, vector<128x256xf32>
    %dot_general3A = arith.constant dense<0.000000e+00> : vector<1000x256xf32>
    %dot_general3A_39 = tpu.matmul %add3A_17, %get3A_38, %dot_general3A {dimension_numbers = #tpu.dot_dimension_numbers<[1], [0], [0], [1], [0, 0, 1, 1], [], []>, transpose_lhs_hint = false} : vector<1000x128xf32>, vector<128x256xf32>, vector<1000x256xf32> -> vector<1000x256xf32>
    %get3A_40 = arith.constant 128 : index
    %get3A_41 = arith.constant 0 : index
    %get3A_42 = vector.load %arg6[%get3A_40, %get3A_41] : memref<256x256xf32, #tpu.memory_space<vmem>>, vector<128x256xf32>
    %dot_general3A_43 = arith.constant dense<0.000000e+00> : vector<1000x256xf32>
    %dot_general3A_44 = tpu.matmul %add3A_35, %get3A_42, %dot_general3A_43 {dimension_numbers = #tpu.dot_dimension_numbers<[1], [0], [0], [1], [0, 0, 1, 1], [], []>, transpose_lhs_hint = false} : vector<1000x128xf32>, vector<128x256xf32>, vector<1000x256xf32> -> vector<1000x256xf32>
    %add3A_45 = arith.addf %dot_general3A_39, %dot_general3A_44 : vector<1000x256xf32>
    %get3A_46 = arith.constant 0 : index
    %get3A_47 = arith.constant 0 : index
    %get3A_48 = vector.load %arg7[%get3A_46, %get3A_47] : memref<1x256xf32, #tpu.memory_space<vmem>>, vector<1x256xf32>
    %add3A_49 = vector.broadcast %get3A_48 : vector<1x256xf32> to vector<1000x256xf32>
    %add3A_50 = arith.addf %add3A_45, %add3A_49 : vector<1000x256xf32>
    %max3A = arith.constant 0.000000e+00 : f32
    %max3A_51 = vector.broadcast %max3A : f32 to vector<1000x256xf32>
    %max3A_52 = arith.maximumf %add3A_50, %max3A_51 : vector<1000x256xf32>
    %swap3A = arith.constant 0 : index
    %swap3A_53 = arith.constant 0 : index
    %swap3A_54 = vector.load %arg8[%swap3A, %swap3A_53] : memref<1000x256xf32, #tpu.memory_space<vmem>>, vector<1000x256xf32>
    tpu.vector_store %arg8[%swap3A, %swap3A_53], %max3A_52 {strides = array<i32>} : memref<1000x256xf32, #tpu.memory_space<vmem>>, vector<1000x256xf32>,
    return
  }
  func.func @transform_0(%arg0: i32) -> (i32, i32, i32) {
    %c0_i32 = arith.constant 0 : i32
    %c0_i32_0 = arith.constant 0 : i32
    %c0_i32_1 = arith.constant 0 : i32
    return %c0_i32, %arg0, %c0_i32_0 : i32, i32, i32
  }
  func.func @transform_1(%arg0: i32) -> (i32, i32, i32) {
    %c1_i32 = arith.constant 1 : i32
    %c0_i32 = arith.constant 0 : i32
    %c0_i32_0 = arith.constant 0 : i32
    return %c1_i32, %arg0, %c0_i32 : i32, i32, i32
  }
  func.func @transform_2(%arg0: i32) -> (i32, i32, i32) {
    %c0_i32 = arith.constant 0 : i32
    %c0_i32_0 = arith.constant 0 : i32
    %c0_i32_1 = arith.constant 0 : i32
    return %c0_i32, %arg0, %c0_i32_0 : i32, i32, i32
  }
  func.func @transform_3(%arg0: i32) -> (i32, i32) {
    %c0_i32 = arith.constant 0 : i32
    %c0_i32_0 = arith.constant 0 : i32
    return %arg0, %c0_i32 : i32, i32
  }
  func.func @transform_4(%arg0: i32) -> (i32, i32) {
    %c0_i32 = arith.constant 0 : i32
    %c0_i32_0 = arith.constant 0 : i32
    %c0_i32_1 = arith.constant 0 : i32
    return %c0_i32, %c0_i32_0 : i32, i32
  }
  func.func @transform_5(%arg0: i32) -> (i32, i32) {
    %c0_i32 = arith.constant 0 : i32
    %c0_i32_0 = arith.constant 0 : i32
    %c0_i32_1 = arith.constant 0 : i32
    return %c0_i32, %c0_i32_0 : i32, i32
  }
  func.func @transform_6(%arg0: i32) -> (i32, i32) {
    %c0_i32 = arith.constant 0 : i32
    %c0_i32_0 = arith.constant 0 : i32
    %c0_i32_1 = arith.constant 0 : i32
    return %c0_i32, %c0_i32_0 : i32, i32
  }
  func.func @transform_7(%arg0: i32) -> (i32, i32) {
    %c0_i32 = arith.constant 0 : i32
    %c0_i32_0 = arith.constant 0 : i32
    return %arg0, %c0_i32 : i32, i32
  }
}

</mosaic_0001>

<sc_bundles>
// kernel: kernel.11.cloned.1.call-start
scs
__scs_entry_jumppad:
0x0: {  	(pc) =	sbr.rel $0x88, $3  }
0x1: {  	(tag) =	ssettag $0x0;
	lr =	simm.s32 $0x1  }
0x2: {  	[smem:$0x3F91] =	sst lr;
	_ =	strace $0xD0000000  }
0x3: {  	_ = 	snop  }
0x4: {  	_ = 	snop  }
0x5: {  	_ = 	snop  }
0x6: {  	_ = 	snop  }
0x7: {  	_ = 	snop  }
__scs_overlays_trampoline_lowered:
0x8: {  	[smem:$0x3FA0] =	sst s0  }
0x9: {  	[smem:$0x3FA1] =	sst s1  }
0xa: {  	[smem:$0x3FA2] =	sst s2  }
0xb: {  	[smem:$0x3FA3] =	sst s3  }
0xc: {  	[smem:$0x3FA4] =	sst s4  }
0xd: {  	[smem:$0x3FA5] =	sst s5  }
0xe: {  	[smem:$0x3FA6] =	sst s6  }
0xf: {  	[smem:$0x3FA7] =	sst s7  }
0x10: {  	[smem:$0x3FA8] =	sst s8  }
0x11: {  	[smem:$0x3FA9] =	sst s9;
	s0 =	simm.s32 @!p0 $0x0  }
0x12: {  	s1 =	sld [smem:$0x3F8F];
	s0 =	simm.s32 @p0 $0x1  }
0x13: {  	[smem:$0x3FAA] =	sst s0;
	s0 =	simm.s32 @!p1 $0x0  }
0x14: {  	s2 =	sld [smem:$0x3F8E];
	s0 =	simm.s32 @p1 $0x1  }
0x15: {  	[smem:$0x3FAB] =	sst s0;
	s0 =	simm.s32 @!p2 $0x0  }
0x16: {  	s3 =	sld [smem:$0x3FDB];
	s0 =	simm.s32 @p2 $0x1  }
0x17: {  	s4 =	simm.s32 $0x1BF5;
	[smem:$0x3FAD] =	sst s0  }
0x18: {  	s0 =	sld [smem:$0x3F90];
	_ =	swait.ge [sflag:s4], $0x0  }
0x19: {  	s7 =	sld [smem:$0x3F91]  }
0x1a: {  	s8 =	sadd.s32 $0xFFFFE003, lr  }
0x1b: {  	s9 =	sadd.s32 $0xFFFFFEF7, lr;
	s5 =	simm.s32 $0xFFFFFFFF;
	p2 =	slt.u32 s8, $0xFFFFF086  }
0x1c: {  	p1 =	slt.u32 s9, $0xF7A;
	s5 =	simm.s32 @!p2 $0x0  }
0x1d: {  	s5 =	simm.s32 @p1 $0x1;
	p0 =	seq.s32 s7, s2  }
0x1e: {  	s7 =	smul.u32 @!p0 $0xF7A, s2;
	p2 =	seq.s32 @!p0 s5, $0x0  }
0x1f: {  	s9 =	smul.u32 $0xF7A, s1;
	s8 =	simm.s32 @!p0 $0x1BF5;
	p2 =	por !p2, p0  }
0x20: {  	[sflag:s8] =	ssyncset.s32 @!p0 $0xFFFFF086;
	s6 =	sadd.s32 @!p0 s3, s7;
	s7 =	simm.s32 @!p0 $0x108  }
0x21: {  	s3 =	sadd.s32 s3, s9;
	s6 =	sadd.s32 @!p0 $0x88, s6;
	s7 =	simm.s32 @p2 $0x1082  }
0x22: {  	[simem:s7], [sflag:s8] =	dma.local @!p0 [hbm:s6], $0xF7A  }
0x23: {  	s9 =	sor.u32 $0xD0000000, s2;
	s6 =	simm.s32 $0x108;
	_ =	swait.ge @!p0 [sflag:s8], $0x0  }
0x24: {  	s3 =	sadd.s32 $0x88, s3;
	s6 =	simm.s32 @!p1 $0x1082;
	[sflag:s4] =	ssyncset.s32 $0xFFFFF086  }
0x25: {  	[simem:s6], [sflag:s4] =	dma.local [hbm:s3], $0xF7A  }
0x26: {  	[smem:$0x3F91] =	sst s1;
	(tag) =	ssettag s2;
	_ =	strace s9  }
0x27: {  	s1 =	sld [smem:$0x3FA1]  }
0x28: {  	s2 =	sld [smem:$0x3FA2]  }
0x29: {  	s4 =	sld [smem:$0x3FA4]  }
0x2a: {  	p0 =	seq.s32 s5, $0x0;
	s5 =	sld [smem:$0x3FA5]  }
0x2b: {  	s6 =	sld [smem:$0x3FA6]  }
0x2c: {  	s7 =	sld [smem:$0x3FA7]  }
0x2d: {  	s3 =	simm.s32 $0x108;
	s8 =	sld [smem:$0x3FA8]  }
0x2e: {  	s3 =	simm.s32 @!p0 $0x1082;
	s9 =	sld [smem:$0x3FA9]  }
0x2f: {  	lr =	sadd.s32 s0, s3;
	s0 =	sld [smem:$0x3FA0]  }
0x30: {  	s3 =	sld [smem:$0x3FA3]  }
0x31: {  	[smem:$0x3FAC] =	sst s10  }
0x32: {  	s10 =	sld [smem:$0x3FAA];
	_ =	sdelay $0x3  }
0x33: {  	p0 =	seq.s32 s10, $0x1;
	s10 =	sld [smem:$0x3FAC];
	_ =	sdelay $0x3  }
0x34: {  	[smem:$0x3FAC] =	sst s10  }
0x35: {  	s10 =	sld [smem:$0x3FAB];
	_ =	sdelay $0x3  }
0x36: {  	p1 =	seq.s32 s10, $0x1;
	s10 =	sld [smem:$0x3FAC];
	_ =	sdelay $0x3  }
0x37: {  	[smem:$0x3FAC] =	sst s10  }
0x38: {  	s10 =	sld [smem:$0x3FAD]  }
0x39: {  	_ = 	snop;
	(pc) =	sbr.ind lr, $3  }
0x3a: {  	_ = 	snop  }
0x3b: {  	_ = 	snop  }
0x3c: {  	p2 =	seq.s32 s10, $0x1;
	s10 =	sld [smem:$0x3FAC]  }
0x3d: {  	_ =	shalt  }
0x3e: {  	_ =	shalt  }
0x3f: {  	_ =	shalt  }
0x40: {  	_ =	shalt  }
0x41: {  	_ =	shalt  }
0x42: {  	_ =	shalt  }
0x43: {  	_ =	shalt  }
0x44: {  	_ =	shalt  }
0x45: {  	_ =	shalt  }
0x46: {  	_ =	shalt  }
0x47: {  	_ =	shalt  }
0x48: {  	_ =	shalt  }
0x49: {  	_ =	shalt  }
0x4a: {  	_ =	shalt  }
0x4b: {  	_ =	shalt  }
0x4c: {  	_ =	shalt  }
0x4d: {  	_ =	shalt  }
0x4e: {  	_ =	shalt  }
0x4f: {  	_ =	shalt  }
0x50: {  	_ =	shalt  }
0x51: {  	_ =	shalt  }
0x52: {  	_ =	shalt  }
0x53: {  	_ =	shalt  }
0x54: {  	_ =	shalt  }
0x55: {  	_ =	shalt  }
0x56: {  	_ =	shalt  }
0x57: {  	_ =	shalt  }
0x58: {  	_ =	shalt  }
0x59: {  	_ =	shalt  }
0x5a: {  	_ =	shalt  }
0x5b: {  	_ =	shalt  }
0x5c: {  	_ =	shalt  }
0x5d: {  	_ =	shalt  }
0x5e: {  	_ =	shalt  }
0x5f: {  	_ =	shalt  }
0x60: {  	_ =	shalt  }
0x61: {  	_ =	shalt  }
0x62: {  	_ =	shalt  }
0x63: {  	_ =	shalt  }
0x64: {  	_ =	shalt  }
0x65: {  	_ =	shalt  }
0x66: {  	_ =	shalt  }
0x67: {  	_ =	shalt  }
0x68: {  	_ =	shalt  }
0x69: {  	_ =	shalt  }
0x6a: {  	_ =	shalt  }
0x6b: {  	_ =	shalt  }
0x6c: {  	_ =	shalt  }
0x6d: {  	_ =	shalt  }
0x6e: {  	_ =	shalt  }
0x6f: {  	_ =	shalt  }
0x70: {  	_ =	shalt  }
0x71: {  	_ =	shalt  }
0x72: {  	_ =	shalt  }
0x73: {  	_ =	shalt  }
0x74: {  	_ =	shalt  }
0x75: {  	_ =	shalt  }
0x76: {  	_ =	shalt  }
0x77: {  	_ =	shalt  }
0x78: {  	_ =	shalt  }
0x79: {  	_ =	shalt  }
0x7a: {  	_ =	shalt  }
0x7b: {  	_ =	shalt  }
0x7c: {  	_ =	shalt  }
0x7d: {  	_ =	shalt  }
0x7e: {  	_ =	shalt  }
0x7f: {  	_ =	shalt  }
0x80: {  	_ =	shalt  }
0x81: {  	_ =	shalt  }
0x82: {  	_ =	shalt  }
0x83: {  	_ =	shalt  }
0x84: {  	_ =	shalt  }
0x85: {  	_ =	shalt  }
0x86: {  	_ =	shalt  }
0x87: {  	_ =	shalt  }
.Lfunc_end0:
.L_simem_size_0:
called_computation_lowered:
.L_overlay_start_0:
0x88: {  	s2 =	sld [smem:$0x3FD9]  }
0x89: {  	s3 =	sld [smem:$0x3FFE];
	_ =	sdelay $0x1  }
0x8a: {  	s1 =	srdreg.scid  }
0x8b: {  	s0 =	sand.u32 $0x1, s1  }
0x8c: {  	s17 =	sshll.u32 s0, $0xA;
	s2 =	sadd.s32 s3, s2  }
0x8d: {  	s2 =	sadd.s32 s2, s17  }
0x8e: {  	[smem:$0x3FB8] =	sst s2  }
0x8f: {  	_ = 	snop  }
0x90: {  	s2 =	sld [smem:$0x3FD0];
	(tm) =	ssettm $0x1  }
0x91: {  	s18 =	sld [smem:$0x3FFB];
	_ =	sdelay $0x3  }
0x92: {  	_ =	strace s18  }
0x93: {  	s3 =	sld [smem:$0x3FFC];
	_ =	sdelay $0x3  }
0x94: {  	_ =	strace s3  }
0x95: {  	s3 =	sld [smem:$0x3FFD];
	_ =	sdelay $0x3  }
0x96: {  	_ =	strace s3  }
0x97: {  	_ =	strace $0x8FFFFFFF  }
0x98: {  	s19 =	sld [smem:$0x3FDB];
	_ =	sdelay $0x1  }
0x99: {  	s4 =	simm.s32 $_scs_section_size  }
0x9a: {  	s5 =	simm.s32 $_size__tile_overlayer_lowered;
	s6 =	simm.s32 $_tile_overlayer_lowered  }
0x9b: {  	s22 =	simm.s32 $0x1BFF;
	s21 =	sshll.u32 s6, $0x1;
	s3 =	sadd.s32 s4, s19  }
0x9c: {  	s7 =	simm.s32 $0x0;
	s20 =	sshll.u32 s5, $0x1;
	s5 =	sadd.s32 s21, s3  }
0x9d: {  	[timem:s7], [sflag:s22] =	dma.local [hbm:s5], s20  }
0x9e: {  	_ =	swait.ge [sflag:s22], s20  }
0x9f: {  	s4 =	ssub.s32 $0x0, s20;
	[sflag:s22] =	ssyncset.done $0x0  }
0xa0: {  	[sflag:s22] =	ssyncadd.s32 s4;
	_ =	sdelay $0x1  }
0xa1: {  	s23 =	simm.s32 $0x1B8B  }
0xa2: {  	_ =	swait.ge [sflag:s23], $0x1  }
0xa3: {  	[sflag:s23] =	ssyncset.done $0x0  }
0xa4: {  	s25 =	simm.s32 $0x1B8E;
	s24 =	sld [smem:$0x3FFE];
	[sflag:s23] =	ssyncadd.s32 $0xFFFFFFFF  }
0xa5: {  	s26 =	simm.s32 $execute0_lowered;
	[smem:$0x3FD2] =	sst s25  }
0xa6: {  	s5 =	sshll.u32 s26, $0x1;
	_ =	strace $0x80000046;
	[dreg:$0x1] =	wrdreg $0xFFFFFFFF  }
0xa7: {  	s28 =	simm.s32 $_size_execute0_lowered;
	s3 =	sadd.s32 s3, s5;
	[dreg:$0x0] =	wrdreg $0x0  }
0xa8: {  	s5 =	sshll.u32 s28, $0x1;
	[dreg:$0x2] =	wrdreg s3  }
0xa9: {  	[dreg:$0x3] =	wrdreg s5  }
0xaa: {  	[dreg:$0x4] =	wrdreg $0xC0  }
0xab: {  	_ =	task [dreg:s7], $0x5FFFF  }
0xac: {  	[dreg:$0x1] =	wrdreg $0xFFFFFFFF  }
0xad: {  	[dreg:$0x0] =	wrdreg $0x60  }
0xae: {  	[dreg:$0x2] =	wrdreg s2  }
0xaf: {  	[dreg:$0x3] =	wrdreg s24  }
0xb0: {  	[dreg:$0x4] =	wrdreg $0x9  }
0xb1: {  	_ =	task.clear_ibuf [dreg:s7], $0x5FFFF;
	_ =	strace $0x90000046  }
0xb2: {  	s29 =	simm.s32 $0x9;
	_ =	strace $0x80000048  }
0xb3: {  	_ =	swait.ge [sflag:s29], $0x1  }
0xb4: {  	[sflag:s29] =	ssyncadd.s32 $0xFFFFFFFF  }
0xb5: {  	_ =	strace $0x90000048  }
0xb6: {  	_ =	sfence  }
0xb7: {  	s30 =	sld [smem:$0x0];
	_ =	sdelay $0x2  }
0xb8: {  	s31 =	sshll.u32 s1, $0xD;
	s1 =	sshrl.u32 s1, $0x2  }
0xb9: {  	s3 =	sand.u32 $0x4000, s31;
	s1 =	sadd.s32 s1, s30  }
0xba: {  	s0 =	sor.u32 s3, s0;
	s1 =	sshll.u32 s1, $0x11  }
0xbb: {  	s0 =	sor.u32 s1, s0  }
0xbc: {  	s0 =	sadd.s32 $0x8F2B, s0  }
0xbd: {  	[sflag:s0] =	ssyncadd.remote.s32 $0x1  }
0xbe: {  	_ =	sfence.sel $0xFFFF  }
0xbf: {  	[dreg:$0x0] =	wrdreg $0xFFFFFFFF;
	(pc) =	sbr.abs _section_cstart, $3  }
0xc0: {  	[dreg:$0x1] =	wrdreg $0xFFFFFFFF  }
0xc1: {  	_ =	task.clear_ibuf [dreg:s7], $0x2FFFF;
	_ =	strace $0x9FFFFFFF  }
0xc2: {  	(tm) =	ssettm $0x7FFFFFFF  }
0xc3: {  	_ =	shalt  }
tec
execute0_lowered:
.L_overlay_start_1:
0x0: {  	(tag) =	ssettag $0x1  }
0x1: {  	s3 =	rddreg [dreg:$0x0]  }
0x2: {  	s4 =	rddreg [dreg:$0x1]  }
0x3: {  	s0 =	rddreg [dreg:$0x2];
	s5 =	srdreg.scid  }
0x4: {  	s1 =	stileid.u32;
	s2 =	simm.s32 $0x0;
	s9 =	sand.u32 $0x1, s5  }
0x5: {  	s6 =	smul.u32 $0x500, s1;
	[smem:$0x7FF] =	sst s2;
	s5 =	ssub.s32 $0x2, s9  }
0x6: {  	_ =	strace $0x80000047;
	p0 =	sne.s32 s9, $0x0;
	s9 =	simm.s32 $0x0  }
0x7: {  	s7 =	sadd.s32 s6, s4;
	s31 =	sshrl.u32 s5, $0x1;
	s3 =	sadd.s32 s3, s6  }
0x8: {  	s8 =	ssub.s32 s5, s31;
	s4 =	sadd.s32 $0x4000, s7;
	s5 =	sadd.s32 $0x9000, s7  }
0x9: {  	s6 =	sadd.s32 $0xE000, s7;
	s7 =	smax.u32 s8, $0x1;
	s8 =	simm.s32 $0x1  }
.LBB2_1:
0xa: {  	[tilespmem:s2], [sflag:$0x1] =	stream.linear.gather [hbm4b:s3+s2], $0x2800, $0x38;
	[tilespmem:$0xA000] =	vst v63  }
0xb: {  	_ =	swait.ge [sflag:s8], $0x2800  }
0xc: {  	[sflag:s8] =	ssyncset.done $0x0  }
0xd: {  	s10 =	simm.s32 $0x2800;
	[sflag:s8] =	ssyncadd.s32 $0xFFFFD800  }
0xe: {  	[tilespmem:s10], [sflag:$0x1] =	stream.linear.gather [hbm4b:s4+s2], $0x2800, $0x38;
	[tilespmem:$0xA000] =	vst v63  }
0xf: {  	_ =	swait.ge [sflag:s8], $0x2800  }
0x10: {  	[sflag:s8] =	ssyncset.done $0x0  }
0x11: {  	[sflag:s8] =	ssyncadd.s32 $0xFFFFD800  }
0x12: {  	v0 =	vld [tilespmem:s2+$0x0]  }
0x13: {  	v1 =	vld [tilespmem:s10+$0x0];
	_ =	sdelay $0x2  }
0x14: {  	p1 =	por $0x1, $0x1  }
0x15: {  	s11 =	simm.s32 $0x5000;
	v0 =	vpsel !p1, $0x0, v0  }
0x16: {  	s10 =	simm.s32 $0x7800;
	[tilespmem:s11+$0x0] =	vst v0;
	v0 =	vpsel !p1, $0x27D8, v1  }
0x17: {  	s12 =	simm.s32 $0x10;
	[tilespmem:s10+$0x0] =	vst v0  }
0x18: {  	s13 =	simm.s32 $0x2810;
	v1 =	vld [tilespmem:s12+$0x0]  }
0x19: {  	s14 =	simm.s32 $0x20;
	s15 =	simm.s32 $0x10;
	v0 =	vld [tilespmem:s13+$0x0]  }
.LBB2_2:
0x1a: {  	p1 =	sne.s32 s14, $0x27F0;
	_ =	sdelay $0x1  }
0x1b: {  	p2 =	slt.u32 s12, $0x2710;
	s12 =	smov.u32 s14  }
.Ltmp0:
0x1c: {  	s11 =	sadd.s32 $0x10, s11;
	v1 =	vpsel !p2, $0x0, v1;
	(pc) =	sbr.rel @p1 .LBB2_2-.Ltmp0, $4  }
0x1d: {  	s10 =	sadd.s32 $0x10, s10;
	[tilespmem:s11+$0x0] =	vst v1;
	v0 =	vpsel !p2, $0x27D8, v0  }
0x1e: {  	s15 =	sadd.s32 $0x10, s15;
	[tilespmem:s10+$0x0] =	vst v0  }
0x1f: {  	s13 =	sadd.s32 $0x10, s13;
	v1 =	vld [tilespmem:s15+$0x0]  }
0x20: {  	s14 =	sadd.s32 $0x10, s14;
	v0 =	vld [tilespmem:s13+$0x0]  }
0x21: {  	_ =	sdelay $0x1  }
0x22: {  	p1 =	slt.u32 s12, $0x2710  }
0x23: {  	s11 =	sadd.s32 $0x10, s11;
	v1 =	vpsel !p1, $0x0, v1  }
0x24: {  	s10 =	sadd.s32 $0x10, s10;
	[tilespmem:s11+$0x0] =	vst v1;
	v0 =	vpsel !p1, $0x27D8, v0  }
0x25: {  	s11 =	simm.s32 @!p0 $0x5000;
	[tilespmem:s10+$0x0] =	vst v0;
	s10 =	simm.s32 @!p0 $0x0  }
0x26: {  	[hbm4b:s5+s10] =	stream.linear.scatter @!p0 [tilespmem:s11], [sflag:$0x1], $0x2800, $0x38;
	[tilespmem:$0xA000] =	vst v63  }
0x27: {  	s11 =	simm.s32 @!p0 $0x1  }
0x28: {  	s9 =	sadd.s32 $0x1, s9;
	_ =	swait.ge @!p0 [sflag:s11], $0x2800  }
0x29: {  	p1 =	sne.s32 s9, s7;
	[sflag:s11] =	ssyncset.done @!p0 $0x0  }
.Ltmp1:
0x2a: {  	s12 =	simm.s32 @!p0 $0x7800;
	[sflag:s11] =	ssyncadd.s32 @!p0 $0xFFFFD800;
	(pc) =	sbr.rel @p1 .LBB2_1-.Ltmp1, $4  }
0x2b: {  	[hbm4b:s6+s10] =	stream.linear.scatter @!p0 [tilespmem:s12], [sflag:$0x1], $0x2800, $0x38;
	[tilespmem:$0xA000] =	vst v63  }
0x2c: {  	_ =	swait.ge @!p0 [sflag:s11], $0x2800  }
0x2d: {  	[sflag:s11] =	ssyncset.done @!p0 $0x0  }
0x2e: {  	[sflag:s11] =	ssyncadd.s32 @!p0 $0xFFFFD800  }
0x2f: {  	_ =	sfence.sel $0x180000  }
0x30: {  	[bflag:$0x0] =	sbarrier.arrive $0xFFFF  }
0x31: {  	p0 =	sne.s32 s1, $0x0;
	_ =	strace $0x90000047  }
0x32: {  	s0 =	sadd.s32 @!p0 $0x100000, s0;
	[bflag:$0x2] =	sbarrier.arrive $0xFFFF  }
0x33: {  	[sflag:s0] =	ssyncadd.tile.s32 @!p0 $0x1;
	_ =	shalt  }
.Lfunc_end2:
_tile_overlayer_lowered:
.L_overlay_start_2:
0x34: {  	(tag) =	ssettag $0x2  }
0x35: {  	s0 =	rddreg [dreg:$0x0];
	s2 =	stileid.u32  }
0x36: {  	s1 =	rddreg [dreg:$0x1];
	p0 =	sne.s32 s2, $0x0  }
0x37: {  	s3 =	rddreg [dreg:$0x2];
	[bflag:$0x3] =	sbarrier.arrive $0xFFFF;
	s2 =	simm.s32 @!p0 $0x1C01  }
0x38: {  	[timem:s3], [sflag:s2] =	dma.local @!p0 [hbm:s0], s1  }
0x39: {  	s0 =	simm.s32 @!p0 $0x1  }
0x3a: {  	_ =	swait.ge @!p0 [sflag:s0], s1  }
0x3b: {  	s1 =	ssub.s32 @!p0 $0x0, s1;
	[sflag:s0] =	ssyncset.done @!p0 $0x0  }
0x3c: {  	[sflag:s0] =	ssyncadd.s32 @!p0 s1  }
0x3d: {  	[bflag:$0x3] =	sbarrier.arrive $0xFFFF  }
0x3e: {  	_ =	shalt  }

// kernel: kernel.14.cloned.1.call-start
scs
__scs_entry_jumppad:
0x0: {  	(pc) =	sbr.rel $0x88, $3  }
0x1: {  	(tag) =	ssettag $0x0;
	lr =	simm.s32 $0x1  }
0x2: {  	[smem:$0x3F91] =	sst lr;
	_ =	strace $0xD0000000  }
0x3: {  	_ = 	snop  }
0x4: {  	_ = 	snop  }
0x5: {  	_ = 	snop  }
0x6: {  	_ = 	snop  }
0x7: {  	_ = 	snop  }
__scs_overlays_trampoline_lowered:
0x8: {  	[smem:$0x3FA0] =	sst s0  }
0x9: {  	[smem:$0x3FA1] =	sst s1  }
0xa: {  	[smem:$0x3FA2] =	sst s2  }
0xb: {  	[smem:$0x3FA3] =	sst s3  }
0xc: {  	[smem:$0x3FA4] =	sst s4  }
0xd: {  	[smem:$0x3FA5] =	sst s5  }
0xe: {  	[smem:$0x3FA6] =	sst s6  }
0xf: {  	[smem:$0x3FA7] =	sst s7  }
0x10: {  	[smem:$0x3FA8] =	sst s8  }
0x11: {  	[smem:$0x3FA9] =	sst s9;
	s0 =	simm.s32 @!p0 $0x0  }
0x12: {  	s1 =	sld [smem:$0x3F8F];
	s0 =	simm.s32 @p0 $0x1  }
0x13: {  	[smem:$0x3FAA] =	sst s0;
	s0 =	simm.s32 @!p1 $0x0  }
0x14: {  	s2 =	sld [smem:$0x3F8E];
	s0 =	simm.s32 @p1 $0x1  }
0x15: {  	[smem:$0x3FAB] =	sst s0;
	s0 =	simm.s32 @!p2 $0x0  }
0x16: {  	s3 =	sld [smem:$0x3FDB];
	s0 =	simm.s32 @p2 $0x1  }
0x17: {  	s4 =	simm.s32 $0x1BF5;
	[smem:$0x3FAD] =	sst s0  }
0x18: {  	s0 =	sld [smem:$0x3F90];
	_ =	swait.ge [sflag:s4], $0x0  }
0x19: {  	s7 =	sld [smem:$0x3F91]  }
0x1a: {  	s8 =	sadd.s32 $0xFFFFE003, lr  }
0x1b: {  	s9 =	sadd.s32 $0xFFFFFEF7, lr;
	s5 =	simm.s32 $0xFFFFFFFF;
	p2 =	slt.u32 s8, $0xFFFFF086  }
0x1c: {  	p1 =	slt.u32 s9, $0xF7A;
	s5 =	simm.s32 @!p2 $0x0  }
0x1d: {  	s5 =	simm.s32 @p1 $0x1;
	p0 =	seq.s32 s7, s2  }
0x1e: {  	s7 =	smul.u32 @!p0 $0xF7A, s2;
	p2 =	seq.s32 @!p0 s5, $0x0  }
0x1f: {  	s9 =	smul.u32 $0xF7A, s1;
	s8 =	simm.s32 @!p0 $0x1BF5;
	p2 =	por !p2, p0  }
0x20: {  	[sflag:s8] =	ssyncset.s32 @!p0 $0xFFFFF086;
	s6 =	sadd.s32 @!p0 s3, s7;
	s7 =	simm.s32 @!p0 $0x108  }
0x21: {  	s3 =	sadd.s32 s3, s9;
	s6 =	sadd.s32 @!p0 $0x88, s6;
	s7 =	simm.s32 @p2 $0x1082  }
0x22: {  	[simem:s7], [sflag:s8] =	dma.local @!p0 [hbm:s6], $0xF7A  }
0x23: {  	s9 =	sor.u32 $0xD0000000, s2;
	s6 =	simm.s32 $0x108;
	_ =	swait.ge @!p0 [sflag:s8], $0x0  }
0x24: {  	s3 =	sadd.s32 $0x88, s3;
	s6 =	simm.s32 @!p1 $0x1082;
	[sflag:s4] =	ssyncset.s32 $0xFFFFF086  }
0x25: {  	[simem:s6], [sflag:s4] =	dma.local [hbm:s3], $0xF7A  }
0x26: {  	[smem:$0x3F91] =	sst s1;
	(tag) =	ssettag s2;
	_ =	strace s9  }
0x27: {  	s1 =	sld [smem:$0x3FA1]  }
0x28: {  	s2 =	sld [smem:$0x3FA2]  }
0x29: {  	s4 =	sld [smem:$0x3FA4]  }
0x2a: {  	p0 =	seq.s32 s5, $0x0;
	s5 =	sld [smem:$0x3FA5]  }
0x2b: {  	s6 =	sld [smem:$0x3FA6]  }
0x2c: {  	s7 =	sld [smem:$0x3FA7]  }
0x2d: {  	s3 =	simm.s32 $0x108;
	s8 =	sld [smem:$0x3FA8]  }
0x2e: {  	s3 =	simm.s32 @!p0 $0x1082;
	s9 =	sld [smem:$0x3FA9]  }
0x2f: {  	lr =	sadd.s32 s0, s3;
	s0 =	sld [smem:$0x3FA0]  }
0x30: {  	s3 =	sld [smem:$0x3FA3]  }
0x31: {  	[smem:$0x3FAC] =	sst s10  }
0x32: {  	s10 =	sld [smem:$0x3FAA];
	_ =	sdelay $0x3  }
0x33: {  	p0 =	seq.s32 s10, $0x1;
	s10 =	sld [smem:$0x3FAC];
	_ =	sdelay $0x3  }
0x34: {  	[smem:$0x3FAC] =	sst s10  }
0x35: {  	s10 =	sld [smem:$0x3FAB];
	_ =	sdelay $0x3  }
0x36: {  	p1 =	seq.s32 s10, $0x1;
	s10 =	sld [smem:$0x3FAC];
	_ =	sdelay $0x3  }
0x37: {  	[smem:$0x3FAC] =	sst s10  }
0x38: {  	s10 =	sld [smem:$0x3FAD]  }
0x39: {  	_ = 	snop;
	(pc) =	sbr.ind lr, $3  }
0x3a: {  	_ = 	snop  }
0x3b: {  	_ = 	snop  }
0x3c: {  	p2 =	seq.s32 s10, $0x1;
	s10 =	sld [smem:$0x3FAC]  }
0x3d: {  	_ =	shalt  }
0x3e: {  	_ =	shalt  }
0x3f: {  	_ =	shalt  }
0x40: {  	_ =	shalt  }
0x41: {  	_ =	shalt  }
0x42: {  	_ =	shalt  }
0x43: {  	_ =	shalt  }
0x44: {  	_ =	shalt  }
0x45: {  	_ =	shalt  }
0x46: {  	_ =	shalt  }
0x47: {  	_ =	shalt  }
0x48: {  	_ =	shalt  }
0x49: {  	_ =	shalt  }
0x4a: {  	_ =	shalt  }
0x4b: {  	_ =	shalt  }
0x4c: {  	_ =	shalt  }
0x4d: {  	_ =	shalt  }
0x4e: {  	_ =	shalt  }
0x4f: {  	_ =	shalt  }
0x50: {  	_ =	shalt  }
0x51: {  	_ =	shalt  }
0x52: {  	_ =	shalt  }
0x53: {  	_ =	shalt  }
0x54: {  	_ =	shalt  }
0x55: {  	_ =	shalt  }
0x56: {  	_ =	shalt  }
0x57: {  	_ =	shalt  }
0x58: {  	_ =	shalt  }
0x59: {  	_ =	shalt  }
0x5a: {  	_ =	shalt  }
0x5b: {  	_ =	shalt  }
0x5c: {  	_ =	shalt  }
0x5d: {  	_ =	shalt  }
0x5e: {  	_ =	shalt  }
0x5f: {  	_ =	shalt  }
0x60: {  	_ =	shalt  }
0x61: {  	_ =	shalt  }
0x62: {  	_ =	shalt  }
0x63: {  	_ =	shalt  }
0x64: {  	_ =	shalt  }
0x65: {  	_ =	shalt  }
0x66: {  	_ =	shalt  }
0x67: {  	_ =	shalt  }
0x68: {  	_ =	shalt  }
0x69: {  	_ =	shalt  }
0x6a: {  	_ =	shalt  }
0x6b: {  	_ =	shalt  }
0x6c: {  	_ =	shalt  }
0x6d: {  	_ =	shalt  }
0x6e: {  	_ =	shalt  }
0x6f: {  	_ =	shalt  }
0x70: {  	_ =	shalt  }
0x71: {  	_ =	shalt  }
0x72: {  	_ =	shalt  }
0x73: {  	_ =	shalt  }
0x74: {  	_ =	shalt  }
0x75: {  	_ =	shalt  }
0x76: {  	_ =	shalt  }
0x77: {  	_ =	shalt  }
0x78: {  	_ =	shalt  }
0x79: {  	_ =	shalt  }
0x7a: {  	_ =	shalt  }
0x7b: {  	_ =	shalt  }
0x7c: {  	_ =	shalt  }
0x7d: {  	_ =	shalt  }
0x7e: {  	_ =	shalt  }
0x7f: {  	_ =	shalt  }
0x80: {  	_ =	shalt  }
0x81: {  	_ =	shalt  }
0x82: {  	_ =	shalt  }
0x83: {  	_ =	shalt  }
0x84: {  	_ =	shalt  }
0x85: {  	_ =	shalt  }
0x86: {  	_ =	shalt  }
0x87: {  	_ =	shalt  }
.Lfunc_end0:
.L_simem_size_0:
called_computation.1_lowered:
.L_overlay_start_0:
0x88: {  	s2 =	sld [smem:$0x3FD9]  }
0x89: {  	s3 =	sld [smem:$0x3FFE];
	_ =	sdelay $0x1  }
0x8a: {  	s1 =	srdreg.scid  }
0x8b: {  	s0 =	sand.u32 $0x1, s1  }
0x8c: {  	s17 =	sshll.u32 s0, $0xA;
	s2 =	sadd.s32 s3, s2  }
0x8d: {  	s2 =	sadd.s32 s2, s17  }
0x8e: {  	[smem:$0x3FB8] =	sst s2  }
0x8f: {  	_ = 	snop  }
0x90: {  	s2 =	sld [smem:$0x3FD0];
	(tm) =	ssettm $0x1  }
0x91: {  	s18 =	sld [smem:$0x3FFB];
	_ =	sdelay $0x3  }
0x92: {  	_ =	strace s18  }
0x93: {  	s3 =	sld [smem:$0x3FFC];
	_ =	sdelay $0x3  }
0x94: {  	_ =	strace s3  }
0x95: {  	s3 =	sld [smem:$0x3FFD];
	_ =	sdelay $0x3  }
0x96: {  	_ =	strace s3  }
0x97: {  	_ =	strace $0x8FFFFFFF  }
0x98: {  	s19 =	sld [smem:$0x3FDB];
	_ =	sdelay $0x1  }
0x99: {  	s4 =	simm.s32 $_scs_section_size  }
0x9a: {  	s5 =	simm.s32 $_size__tile_overlayer_lowered;
	s6 =	simm.s32 $_tile_overlayer_lowered  }
0x9b: {  	s22 =	simm.s32 $0x1BFF;
	s21 =	sshll.u32 s6, $0x1;
	s3 =	sadd.s32 s4, s19  }
0x9c: {  	s7 =	simm.s32 $0x0;
	s20 =	sshll.u32 s5, $0x1;
	s5 =	sadd.s32 s21, s3  }
0x9d: {  	[timem:s7], [sflag:s22] =	dma.local [hbm:s5], s20  }
0x9e: {  	_ =	swait.ge [sflag:s22], s20  }
0x9f: {  	s4 =	ssub.s32 $0x0, s20;
	[sflag:s22] =	ssyncset.done $0x0  }
0xa0: {  	[sflag:s22] =	ssyncadd.s32 s4;
	_ =	sdelay $0x1  }
0xa1: {  	s23 =	simm.s32 $0x1B8B  }
0xa2: {  	_ =	swait.ge [sflag:s23], $0x1  }
0xa3: {  	[sflag:s23] =	ssyncset.done $0x0  }
0xa4: {  	s25 =	simm.s32 $0x1B8E;
	s24 =	sld [smem:$0x3FFE];
	[sflag:s23] =	ssyncadd.s32 $0xFFFFFFFF  }
0xa5: {  	s26 =	simm.s32 $execute0_lowered;
	[smem:$0x3FD2] =	sst s25  }
0xa6: {  	s5 =	sshll.u32 s26, $0x1;
	_ =	strace $0x80000049;
	[dreg:$0x1] =	wrdreg $0xFFFFFFFF  }
0xa7: {  	s28 =	simm.s32 $_size_execute0_lowered;
	s3 =	sadd.s32 s3, s5;
	[dreg:$0x0] =	wrdreg $0x0  }
0xa8: {  	s5 =	sshll.u32 s28, $0x1;
	[dreg:$0x2] =	wrdreg s3  }
0xa9: {  	[dreg:$0x3] =	wrdreg s5  }
0xaa: {  	[dreg:$0x4] =	wrdreg $0xC0  }
0xab: {  	_ =	task [dreg:s7], $0x5FFFF  }
0xac: {  	[dreg:$0x1] =	wrdreg $0xFFFFFFFF  }
0xad: {  	[dreg:$0x0] =	wrdreg $0x60  }
0xae: {  	[dreg:$0x2] =	wrdreg s24  }
0xaf: {  	[dreg:$0x3] =	wrdreg s2  }
0xb0: {  	[dreg:$0x4] =	wrdreg $0x68000  }
0xb1: {  	[dreg:$0x5] =	wrdreg $0x9  }
0xb2: {  	_ =	task.clear_ibuf [dreg:s7], $0x6FFFF;
	_ =	strace $0x90000049  }
0xb3: {  	s29 =	simm.s32 $0x9;
	_ =	strace $0x8000004B  }
0xb4: {  	_ =	swait.ge [sflag:s29], $0x1  }
0xb5: {  	[sflag:s29] =	ssyncadd.s32 $0xFFFFFFFF  }
0xb6: {  	_ =	strace $0x9000004B  }
0xb7: {  	_ =	sfence  }
0xb8: {  	s30 =	sld [smem:$0x0];
	_ =	sdelay $0x2  }
0xb9: {  	s31 =	sshll.u32 s1, $0xD;
	s1 =	sshrl.u32 s1, $0x2  }
0xba: {  	s3 =	sand.u32 $0x4000, s31;
	s1 =	sadd.s32 s1, s30  }
0xbb: {  	s0 =	sor.u32 s3, s0;
	s1 =	sshll.u32 s1, $0x11  }
0xbc: {  	s0 =	sor.u32 s1, s0  }
0xbd: {  	s0 =	sadd.s32 $0x8F2B, s0  }
0xbe: {  	[sflag:s0] =	ssyncadd.remote.s32 $0x1  }
0xbf: {  	_ =	sfence.sel $0xFFFF  }
0xc0: {  	[dreg:$0x0] =	wrdreg $0xFFFFFFFF;
	(pc) =	sbr.abs _section_cstart, $3  }
0xc1: {  	[dreg:$0x1] =	wrdreg $0xFFFFFFFF  }
0xc2: {  	_ =	task.clear_ibuf [dreg:s7], $0x2FFFF;
	_ =	strace $0x9FFFFFFF  }
0xc3: {  	(tm) =	ssettm $0x7FFFFFFF  }
tec
execute0_lowered:
.L_overlay_start_1:
0x0: {  	(tag) =	ssettag $0x1  }
0x1: {  	s4 =	rddreg [dreg:$0x0]  }
0x2: {  	s6 =	rddreg [dreg:$0x1]  }
0x3: {  	s2 =	rddreg [dreg:$0x2]  }
0x4: {  	s1 =	stileid.u32;
	s0 =	rddreg [dreg:$0x3];
	s3 =	simm.s32 $0x0  }
0x5: {  	s8 =	srdreg.scid;
	s11 =	simm.s32 $0x80;
	s5 =	smul.u32 $0x500, s1  }
0x6: {  	s14 =	simm.s32 $0x0;
	s7 =	smul.u32 $0x2800, s1;
	[smem:$0x7FF] =	sst s3  }
0x7: {  	s12 =	sand.u32 $0x1, s8;
	s29 =	smul.u32 $0x50000, s1;
	s31 =	sshll.u32 s1, $0x6  }
0x8: {  	_ =	strace $0x8000004A;
	s9 =	ssub.s32 $0x2, s12;
	p0 =	sne.s32 s12, $0x0  }
0x9: {  	s12 =	simm.s32 $0x2800;
	s5 =	sadd.s32 s5, s4;
	s10 =	sadd.s32 s7, s4  }
0xa: {  	s30 =	sshrl.u32 s9, $0x1;
	s8 =	sshrl.u32 s29, $0x2;
	s6 =	sadd.s32 s6, s7  }
0xb: {  	s9 =	ssub.s32 s9, s30;
	s4 =	sadd.s32 $0xE000, s5;
	s13 =	sadd.s32 s8, s2  }
0xc: {  	s5 =	sadd.s32 $0x13000, s10;
	s8 =	simm.s32 $0x1;
	s7 =	smax.u32 s9, $0x1  }
0xd: {  	v0 =	vimm.f32 $1.000000000e+00;
	s9 =	sor.u32 $0x1C01, s31;
	s10 =	sshrl.u32 s13, $0x3;
	s13 =	sshrl.u32 @!p0 s13, $0x3  }
.LBB2_1:
0xe: {  	[tilespmem:s3], [sflag:$0x1] =	stream.linear.gather [hbm4b:s4+s3], $0x2800, $0x38;
	[tilespmem:$0x1A800] =	vst v63  }
0xf: {  	_ =	swait.ge [sflag:s8], $0x2800  }
0x10: {  	[sflag:s8] =	ssyncset.done $0x0  }
0x11: {  	s15 =	simm.s32 $0x0;
	s16 =	simm.s32 $0x200;
	[sflag:s8] =	ssyncadd.s32 $0xFFFFD800  }
.LBB2_2:
0x12: {  	p1 =	sne.s32 s16, $0xFE00;
	[tilespmem:s15+$0x2870] =	vst v0  }
0x13: {  	[tilespmem:s15+$0x2800] =	vst v0  }
0x14: {  	[tilespmem:s15+$0x2810] =	vst v0  }
.Ltmp0:
0x15: {  	[tilespmem:s15+$0x2820] =	vst v0;
	(pc) =	sbr.rel @p1 .LBB2_2-.Ltmp0, $4  }
0x16: {  	[tilespmem:s15+$0x2830] =	vst v0  }
0x17: {  	[tilespmem:s15+$0x2840] =	vst v0  }
0x18: {  	[tilespmem:s15+$0x2850] =	vst v0  }
0x19: {  	[tilespmem:s15+$0x2860] =	vst v0;
	s15 =	sshra.s32 s16, $0x2;
	s16 =	sadd.s32 $0x200, s16  }
0x1a: {  	[tilespmem:s15+$0x2870] =	vst v0  }
0x1b: {  	[tilespmem:s15+$0x2800] =	vst v0  }
0x1c: {  	[tilespmem:s15+$0x2810] =	vst v0  }
0x1d: {  	[tilespmem:s15+$0x2820] =	vst v0  }
0x1e: {  	[tilespmem:s15+$0x2830] =	vst v0  }
0x1f: {  	[tilespmem:s15+$0x2840] =	vst v0  }
0x20: {  	[tilespmem:s15+$0x2850] =	vst v0  }
0x21: {  	[tilespmem:s15+$0x2860] =	vst v0  }
0x22: {  	[spmem:s10], [sflag:s9] =	dma.local [hbm:s5], $0x2800  }
0x23: {  	_ =	swait.ge [sflag:s8], $0x2800  }
0x24: {  	[sflag:s8] =	ssyncset.done $0x0  }
0x25: {  	[sflag:s8] =	ssyncadd.s32 $0xFFFFD800  }
0x26: {  	s31 =	simm.s32 $0x0;
	[bflag:$0x0] =	sbarrier.arrive $0xFFFF  }
0x27: {  	[spmem:s2] =	stream.indirect.scatter.add.f32 [tilespmem:s12], [sflag:$0x1], $0x80, s31, s11, $0xb8;
	[tilespmem:$0x1A800] =	vst v63  }
0x28: {  	_ =	swait.ge [sflag:s8], $0x4000  }
0x29: {  	s15 =	simm.s32 $0x200;
	[sflag:s8] =	ssyncset.done $0x0  }
.LBB2_4:
0x2a: {  	s16 =	sshra.s32 s15, $0x2;
	[sflag:s8] =	ssyncadd.s32 $0xFFFFC000;
	p1 =	sne.s32 s15, $0x9E00  }
0x2b: {  	[spmem:s2] =	stream.indirect.scatter.add.f32 [tilespmem:s12], [sflag:$0x1], $0x80, s16, s11, $0xb8;
	[tilespmem:$0x1A800] =	vst v63  }
.Ltmp1:
0x2c: {  	_ = 	snop;
	(pc) =	sbr.rel @p1 .LBB2_4-.Ltmp1, $4  }
0x2d: {  	_ = 	snop  }
0x2e: {  	s15 =	sadd.s32 $0x200, s15  }
0x2f: {  	_ =	swait.ge [sflag:s8], $0x4000  }
0x30: {  	[sflag:s8] =	ssyncset.done $0x0  }
0x31: {  	s14 =	sadd.s32 $0x1, s14  }
0x32: {  	[sflag:s8] =	ssyncadd.s32 $0xFFFFC000;
	p1 =	sne.s32 s14, s7  }
.Ltmp2:
0x33: {  	s15 =	simm.s32 @!p0 $0x1;
	[bflag:$0x0] =	sbarrier.arrive $0xFFFF;
	(pc) =	sbr.rel @p1 .LBB2_1-.Ltmp2, $4  }
0x34: {  	[hbm:s6], [sflag:s9] =	dma.local @!p0 [spmem:s13], $0x2800  }
0x35: {  	_ =	swait.ge @!p0 [sflag:s15], $0x2800  }
0x36: {  	[sflag:s15] =	ssyncset.done @!p0 $0x0  }
0x37: {  	[sflag:s15] =	ssyncadd.s32 @!p0 $0xFFFFD800  }
0x38: {  	_ =	sfence.sel $0x180000  }
0x39: {  	[bflag:$0x0] =	sbarrier.arrive $0xFFFF  }
0x3a: {  	p0 =	sne.s32 s1, $0x0;
	_ =	strace $0x9000004A  }
0x3b: {  	s0 =	sadd.s32 @!p0 $0x100000, s0;
	[bflag:$0x2] =	sbarrier.arrive $0xFFFF  }
0x3c: {  	[sflag:s0] =	ssyncadd.tile.s32 @!p0 $0x1;
	_ =	shalt  }
.Lfunc_end2:
_tile_overlayer_lowered:
.L_overlay_start_2:
0x3d: {  	(tag) =	ssettag $0x2  }
0x3e: {  	s0 =	rddreg [dreg:$0x0];
	s2 =	stileid.u32  }
0x3f: {  	s1 =	rddreg [dreg:$0x1];
	p0 =	sne.s32 s2, $0x0  }
0x40: {  	s3 =	rddreg [dreg:$0x2];
	[bflag:$0x3] =	sbarrier.arrive $0xFFFF;
	s2 =	simm.s32 @!p0 $0x1C01  }
0x41: {  	[timem:s3], [sflag:s2] =	dma.local @!p0 [hbm:s0], s1  }
0x42: {  	s0 =	simm.s32 @!p0 $0x1  }
0x43: {  	_ =	swait.ge @!p0 [sflag:s0], s1  }
0x44: {  	s1 =	ssub.s32 @!p0 $0x0, s1;
	[sflag:s0] =	ssyncset.done @!p0 $0x0  }
0x45: {  	[sflag:s0] =	ssyncadd.s32 @!p0 s1  }
0x46: {  	[bflag:$0x3] =	sbarrier.arrive $0xFFFF  }
0x47: {  	_ =	shalt  }

// kernel: kernel.17.cloned.1.call-start
scs
__scs_entry_jumppad:
0x0: {  	(pc) =	sbr.rel $0x88, $3  }
0x1: {  	(tag) =	ssettag $0x0;
	lr =	simm.s32 $0x1  }
0x2: {  	[smem:$0x3F91] =	sst lr;
	_ =	strace $0xD0000000  }
0x3: {  	_ = 	snop  }
0x4: {  	_ = 	snop  }
0x5: {  	_ = 	snop  }
0x6: {  	_ = 	snop  }
0x7: {  	_ = 	snop  }
__scs_overlays_trampoline_lowered:
0x8: {  	[smem:$0x3FA0] =	sst s0  }
0x9: {  	[smem:$0x3FA1] =	sst s1  }
0xa: {  	[smem:$0x3FA2] =	sst s2  }
0xb: {  	[smem:$0x3FA3] =	sst s3  }
0xc: {  	[smem:$0x3FA4] =	sst s4  }
0xd: {  	[smem:$0x3FA5] =	sst s5  }
0xe: {  	[smem:$0x3FA6] =	sst s6  }
0xf: {  	[smem:$0x3FA7] =	sst s7  }
0x10: {  	[smem:$0x3FA8] =	sst s8  }
0x11: {  	[smem:$0x3FA9] =	sst s9;
	s0 =	simm.s32 @!p0 $0x0  }
0x12: {  	s1 =	sld [smem:$0x3F8F];
	s0 =	simm.s32 @p0 $0x1  }
0x13: {  	[smem:$0x3FAA] =	sst s0;
	s0 =	simm.s32 @!p1 $0x0  }
0x14: {  	s2 =	sld [smem:$0x3F8E];
	s0 =	simm.s32 @p1 $0x1  }
0x15: {  	[smem:$0x3FAB] =	sst s0;
	s0 =	simm.s32 @!p2 $0x0  }
0x16: {  	s3 =	sld [smem:$0x3FDB];
	s0 =	simm.s32 @p2 $0x1  }
0x17: {  	s4 =	simm.s32 $0x1BF5;
	[smem:$0x3FAD] =	sst s0  }
0x18: {  	s0 =	sld [smem:$0x3F90];
	_ =	swait.ge [sflag:s4], $0x0  }
0x19: {  	s7 =	sld [smem:$0x3F91]  }
0x1a: {  	s8 =	sadd.s32 $0xFFFFE003, lr  }
0x1b: {  	s9 =	sadd.s32 $0xFFFFFEF7, lr;
	s5 =	simm.s32 $0xFFFFFFFF;
	p2 =	slt.u32 s8, $0xFFFFF086  }
0x1c: {  	p1 =	slt.u32 s9, $0xF7A;
	s5 =	simm.s32 @!p2 $0x0  }
0x1d: {  	s5 =	simm.s32 @p1 $0x1;
	p0 =	seq.s32 s7, s2  }
0x1e: {  	s7 =	smul.u32 @!p0 $0xF7A, s2;
	p2 =	seq.s32 @!p0 s5, $0x0  }
0x1f: {  	s9 =	smul.u32 $0xF7A, s1;
	s8 =	simm.s32 @!p0 $0x1BF5;
	p2 =	por !p2, p0  }
0x20: {  	[sflag:s8] =	ssyncset.s32 @!p0 $0xFFFFF086;
	s6 =	sadd.s32 @!p0 s3, s7;
	s7 =	simm.s32 @!p0 $0x108  }
0x21: {  	s3 =	sadd.s32 s3, s9;
	s6 =	sadd.s32 @!p0 $0x88, s6;
	s7 =	simm.s32 @p2 $0x1082  }
0x22: {  	[simem:s7], [sflag:s8] =	dma.local @!p0 [hbm:s6], $0xF7A  }
0x23: {  	s9 =	sor.u32 $0xD0000000, s2;
	s6 =	simm.s32 $0x108;
	_ =	swait.ge @!p0 [sflag:s8], $0x0  }
0x24: {  	s3 =	sadd.s32 $0x88, s3;
	s6 =	simm.s32 @!p1 $0x1082;
	[sflag:s4] =	ssyncset.s32 $0xFFFFF086  }
0x25: {  	[simem:s6], [sflag:s4] =	dma.local [hbm:s3], $0xF7A  }
0x26: {  	[smem:$0x3F91] =	sst s1;
	(tag) =	ssettag s2;
	_ =	strace s9  }
0x27: {  	s1 =	sld [smem:$0x3FA1]  }
0x28: {  	s2 =	sld [smem:$0x3FA2]  }
0x29: {  	s4 =	sld [smem:$0x3FA4]  }
0x2a: {  	p0 =	seq.s32 s5, $0x0;
	s5 =	sld [smem:$0x3FA5]  }
0x2b: {  	s6 =	sld [smem:$0x3FA6]  }
0x2c: {  	s7 =	sld [smem:$0x3FA7]  }
0x2d: {  	s3 =	simm.s32 $0x108;
	s8 =	sld [smem:$0x3FA8]  }
0x2e: {  	s3 =	simm.s32 @!p0 $0x1082;
	s9 =	sld [smem:$0x3FA9]  }
0x2f: {  	lr =	sadd.s32 s0, s3;
	s0 =	sld [smem:$0x3FA0]  }
0x30: {  	s3 =	sld [smem:$0x3FA3]  }
0x31: {  	[smem:$0x3FAC] =	sst s10  }
0x32: {  	s10 =	sld [smem:$0x3FAA];
	_ =	sdelay $0x3  }
0x33: {  	p0 =	seq.s32 s10, $0x1;
	s10 =	sld [smem:$0x3FAC];
	_ =	sdelay $0x3  }
0x34: {  	[smem:$0x3FAC] =	sst s10  }
0x35: {  	s10 =	sld [smem:$0x3FAB];
	_ =	sdelay $0x3  }
0x36: {  	p1 =	seq.s32 s10, $0x1;
	s10 =	sld [smem:$0x3FAC];
	_ =	sdelay $0x3  }
0x37: {  	[smem:$0x3FAC] =	sst s10  }
0x38: {  	s10 =	sld [smem:$0x3FAD]  }
0x39: {  	_ = 	snop;
	(pc) =	sbr.ind lr, $3  }
0x3a: {  	_ = 	snop  }
0x3b: {  	_ = 	snop  }
0x3c: {  	p2 =	seq.s32 s10, $0x1;
	s10 =	sld [smem:$0x3FAC]  }
0x3d: {  	_ =	shalt  }
0x3e: {  	_ =	shalt  }
0x3f: {  	_ =	shalt  }
0x40: {  	_ =	shalt  }
0x41: {  	_ =	shalt  }
0x42: {  	_ =	shalt  }
0x43: {  	_ =	shalt  }
0x44: {  	_ =	shalt  }
0x45: {  	_ =	shalt  }
0x46: {  	_ =	shalt  }
0x47: {  	_ =	shalt  }
0x48: {  	_ =	shalt  }
0x49: {  	_ =	shalt  }
0x4a: {  	_ =	shalt  }
0x4b: {  	_ =	shalt  }
0x4c: {  	_ =	shalt  }
0x4d: {  	_ =	shalt  }
0x4e: {  	_ =	shalt  }
0x4f: {  	_ =	shalt  }
0x50: {  	_ =	shalt  }
0x51: {  	_ =	shalt  }
0x52: {  	_ =	shalt  }
0x53: {  	_ =	shalt  }
0x54: {  	_ =	shalt  }
0x55: {  	_ =	shalt  }
0x56: {  	_ =	shalt  }
0x57: {  	_ =	shalt  }
0x58: {  	_ =	shalt  }
0x59: {  	_ =	shalt  }
0x5a: {  	_ =	shalt  }
0x5b: {  	_ =	shalt  }
0x5c: {  	_ =	shalt  }
0x5d: {  	_ =	shalt  }
0x5e: {  	_ =	shalt  }
0x5f: {  	_ =	shalt  }
0x60: {  	_ =	shalt  }
0x61: {  	_ =	shalt  }
0x62: {  	_ =	shalt  }
0x63: {  	_ =	shalt  }
0x64: {  	_ =	shalt  }
0x65: {  	_ =	shalt  }
0x66: {  	_ =	shalt  }
0x67: {  	_ =	shalt  }
0x68: {  	_ =	shalt  }
0x69: {  	_ =	shalt  }
0x6a: {  	_ =	shalt  }
0x6b: {  	_ =	shalt  }
0x6c: {  	_ =	shalt  }
0x6d: {  	_ =	shalt  }
0x6e: {  	_ =	shalt  }
0x6f: {  	_ =	shalt  }
0x70: {  	_ =	shalt  }
0x71: {  	_ =	shalt  }
0x72: {  	_ =	shalt  }
0x73: {  	_ =	shalt  }
0x74: {  	_ =	shalt  }
0x75: {  	_ =	shalt  }
0x76: {  	_ =	shalt  }
0x77: {  	_ =	shalt  }
0x78: {  	_ =	shalt  }
0x79: {  	_ =	shalt  }
0x7a: {  	_ =	shalt  }
0x7b: {  	_ =	shalt  }
0x7c: {  	_ =	shalt  }
0x7d: {  	_ =	shalt  }
0x7e: {  	_ =	shalt  }
0x7f: {  	_ =	shalt  }
0x80: {  	_ =	shalt  }
0x81: {  	_ =	shalt  }
0x82: {  	_ =	shalt  }
0x83: {  	_ =	shalt  }
0x84: {  	_ =	shalt  }
0x85: {  	_ =	shalt  }
0x86: {  	_ =	shalt  }
0x87: {  	_ =	shalt  }
.Lfunc_end0:
.L_simem_size_0:
called_computation.2_lowered:
.L_overlay_start_0:
0x88: {  	s2 =	sld [smem:$0x3FD9]  }
0x89: {  	s3 =	sld [smem:$0x3FFE];
	_ =	sdelay $0x1  }
0x8a: {  	s1 =	srdreg.scid  }
0x8b: {  	s0 =	sand.u32 $0x1, s1  }
0x8c: {  	s17 =	sshll.u32 s0, $0xA;
	s2 =	sadd.s32 s3, s2  }
0x8d: {  	s2 =	sadd.s32 s2, s17  }
0x8e: {  	[smem:$0x3FB8] =	sst s2  }
0x8f: {  	_ = 	snop  }
0x90: {  	s2 =	sld [smem:$0x3FD0];
	(tm) =	ssettm $0x1  }
0x91: {  	s18 =	sld [smem:$0x3FFB];
	_ =	sdelay $0x3  }
0x92: {  	_ =	strace s18  }
0x93: {  	s3 =	sld [smem:$0x3FFC];
	_ =	sdelay $0x3  }
0x94: {  	_ =	strace s3  }
0x95: {  	s3 =	sld [smem:$0x3FFD];
	_ =	sdelay $0x3  }
0x96: {  	_ =	strace s3  }
0x97: {  	_ =	strace $0x8FFFFFFF  }
0x98: {  	s19 =	sld [smem:$0x3FDB];
	_ =	sdelay $0x1  }
0x99: {  	s4 =	simm.s32 $_scs_section_size  }
0x9a: {  	s5 =	simm.s32 $_size__tile_overlayer_lowered;
	s6 =	simm.s32 $_tile_overlayer_lowered  }
0x9b: {  	s22 =	simm.s32 $0x1BFF;
	s21 =	sshll.u32 s6, $0x1;
	s3 =	sadd.s32 s4, s19  }
0x9c: {  	s7 =	simm.s32 $0x0;
	s20 =	sshll.u32 s5, $0x1;
	s5 =	sadd.s32 s21, s3  }
0x9d: {  	[timem:s7], [sflag:s22] =	dma.local [hbm:s5], s20  }
0x9e: {  	_ =	swait.ge [sflag:s22], s20  }
0x9f: {  	s4 =	ssub.s32 $0x0, s20;
	[sflag:s22] =	ssyncset.done $0x0  }
0xa0: {  	[sflag:s22] =	ssyncadd.s32 s4;
	_ =	sdelay $0x1  }
0xa1: {  	s23 =	simm.s32 $0x1B8B  }
0xa2: {  	_ =	swait.ge [sflag:s23], $0x1  }
0xa3: {  	[sflag:s23] =	ssyncset.done $0x0  }
0xa4: {  	s25 =	simm.s32 $0x1B8E;
	s24 =	sld [smem:$0x3FFE];
	[sflag:s23] =	ssyncadd.s32 $0xFFFFFFFF  }
0xa5: {  	s26 =	simm.s32 $execute0_lowered;
	[smem:$0x3FD2] =	sst s25  }
0xa6: {  	s5 =	sshll.u32 s26, $0x1;
	_ =	strace $0x8000004C;
	[dreg:$0x1] =	wrdreg $0xFFFFFFFF  }
0xa7: {  	s28 =	simm.s32 $_size_execute0_lowered;
	s3 =	sadd.s32 s3, s5;
	[dreg:$0x0] =	wrdreg $0x0  }
0xa8: {  	s5 =	sshll.u32 s28, $0x1;
	[dreg:$0x2] =	wrdreg s3  }
0xa9: {  	[dreg:$0x3] =	wrdreg s5  }
0xaa: {  	[dreg:$0x4] =	wrdreg $0xC0  }
0xab: {  	_ =	task [dreg:s7], $0x5FFFF  }
0xac: {  	[dreg:$0x1] =	wrdreg $0xFFFFFFFF  }
0xad: {  	[dreg:$0x0] =	wrdreg $0x60  }
0xae: {  	[dreg:$0x2] =	wrdreg s2  }
0xaf: {  	[dreg:$0x3] =	wrdreg s24  }
0xb0: {  	[dreg:$0x4] =	wrdreg $0x90000  }
0xb1: {  	[dreg:$0x5] =	wrdreg $0x9  }
0xb2: {  	_ =	task.clear_ibuf [dreg:s7], $0x6FFFF;
	_ =	strace $0x9000004C  }
0xb3: {  	s29 =	simm.s32 $0x9;
	_ =	strace $0x8000004E  }
0xb4: {  	_ =	swait.ge [sflag:s29], $0x1  }
0xb5: {  	[sflag:s29] =	ssyncadd.s32 $0xFFFFFFFF  }
0xb6: {  	_ =	strace $0x9000004E  }
0xb7: {  	_ =	sfence  }
0xb8: {  	s30 =	sld [smem:$0x0];
	_ =	sdelay $0x2  }
0xb9: {  	s31 =	sshll.u32 s1, $0xD;
	s1 =	sshrl.u32 s1, $0x2  }
0xba: {  	s3 =	sand.u32 $0x4000, s31;
	s1 =	sadd.s32 s1, s30  }
0xbb: {  	s0 =	sor.u32 s3, s0;
	s1 =	sshll.u32 s1, $0x11  }
0xbc: {  	s0 =	sor.u32 s1, s0  }
0xbd: {  	s0 =	sadd.s32 $0x8F2B, s0  }
0xbe: {  	[sflag:s0] =	ssyncadd.remote.s32 $0x1  }
0xbf: {  	_ =	sfence.sel $0xFFFF  }
0xc0: {  	[dreg:$0x0] =	wrdreg $0xFFFFFFFF;
	(pc) =	sbr.abs _section_cstart, $3  }
0xc1: {  	[dreg:$0x1] =	wrdreg $0xFFFFFFFF  }
0xc2: {  	_ =	task.clear_ibuf [dreg:s7], $0x2FFFF;
	_ =	strace $0x9FFFFFFF  }
0xc3: {  	(tm) =	ssettm $0x7FFFFFFF  }
tec
execute0_lowered:
.L_overlay_start_1:
0x0: {  	(tag) =	ssettag $0x1  }
0x1: {  	s2 =	rddreg [dreg:$0x0]  }
0x2: {  	s5 =	rddreg [dreg:$0x1]  }
0x3: {  	s3 =	rddreg [dreg:$0x2]  }
0x4: {  	s0 =	rddreg [dreg:$0x3]  }
0x5: {  	s1 =	stileid.u32;
	s7 =	srdreg.scid  }
0x6: {  	s4 =	simm.s32 $0x0;
	s16 =	simm.s32 $0x1;
	s6 =	smul.u32 $0x500, s1  }
0x7: {  	s17 =	simm.s32 $0x0;
	s8 =	smul.u32 $0x14000, s1;
	s9 =	sand.u32 $0x1, s7  }
0x8: {  	[smem:$0x7FF] =	sst s4;
	s11 =	smul.u32 $0x50000, s1;
	s15 =	sadd.s32 $0x27100, s2  }
0x9: {  	s31 =	sshll.u32 s1, $0x6;
	s7 =	smul.u32 $0x140000, s9;
	_ =	strace $0x8000004D  }
0xa: {  	s29 =	ssub.s32 $0x2, s9;
	p0 =	seq.s32 s9, $0x1;
	s6 =	sadd.s32 s6, s5  }
0xb: {  	s10 =	sshrl.u32 s8, $0x3;
	s12 =	sshrl.u32 s29, $0x1;
	s30 =	sshrl.u32 s11, $0x2  }
0xc: {  	s11 =	simm.s32 $0x2800;
	s2 =	smov.u32 @p0 s15;
	s15 =	simm.s32 $0x5000  }
0xd: {  	s7 =	sadd.s32 s8, s7;
	s10 =	sadd.s32 s10, s5;
	s12 =	ssub.s32 s29, s12  }
0xe: {  	s14 =	sadd.s32 s30, s3;
	s7 =	sshrl.u32 s7, $0x3;
	s9 =	smax.u32 s12, $0x1  }
0xf: {  	s12 =	sor.u32 $0x1C02, s31;
	s13 =	sadd.s32 s7, s5;
	s5 =	sadd.s32 $0x9000, s6  }
0x10: {  	s6 =	sadd.s32 $0xE000, s6;
	s7 =	sadd.s32 $0x13000, s10;
	s10 =	simm.s32 $0x2  }
0x11: {  	s8 =	sadd.s32 $0x3B000, s13;
	s13 =	sshrl.u32 s14, $0x3;
	s14 =	simm.s32 $0x80  }
.LBB2_1:
0x12: {  	[tilespmem:s4], [sflag:$0x2] =	stream.linear.gather [hbm4b:s5+s4], $0x2800, $0x38;
	[tilespmem:$0x1D000] =	vst v63  }
0x13: {  	_ =	swait.ge [sflag:s10], $0x2800  }
0x14: {  	[sflag:s10] =	ssyncset.done $0x0  }
0x15: {  	[sflag:s10] =	ssyncadd.s32 $0xFFFFD800  }
0x16: {  	[tilespmem:s11], [sflag:$0x2] =	stream.linear.gather [hbm4b:s6+s4], $0x2800, $0x38;
	[tilespmem:$0x1D000] =	vst v63  }
0x17: {  	_ =	swait.ge [sflag:s10], $0x2800  }
0x18: {  	[sflag:s10] =	ssyncset.done $0x0  }
0x19: {  	[sflag:s10] =	ssyncadd.s32 $0xFFFFD800  }
0x1a: {  	[spmem:s13], [sflag:s12] =	dma.local [hbm:s7], $0x2800  }
0x1b: {  	_ =	swait.ge [sflag:s10], $0x2800  }
0x1c: {  	[sflag:s10] =	ssyncset.done $0x0  }
0x1d: {  	[sflag:s10] =	ssyncadd.s32 $0xFFFFD800  }
0x1e: {  	s18 =	simm.s32 $0x0;
	[bflag:$0x0] =	sbarrier.arrive $0xFFFF  }
0x1f: {  	[tilespmem:s15], [sflag:$0x1] =	stream.indirect.gather [hbm4b:s2+s14], $0x80, s18, s14, $0xb8;
	[tilespmem:$0x1D000] =	vst v63  }
0x20: {  	_ =	swait.ge [sflag:s16], $0x4000  }
0x21: {  	[sflag:s16] =	ssyncset.done $0x0  }
0x22: {  	s31 =	simm.s32 $0x2800;
	[sflag:s16] =	ssyncadd.s32 $0xFFFFC000  }
0x23: {  	[spmem:s3] =	stream.indirect.scatter.add.f32 [tilespmem:s15], [sflag:$0x2], $0x80, s31, s14, $0xb8;
	[tilespmem:$0x1D000] =	vst v63  }
0x24: {  	_ =	swait.ge [sflag:s10], $0x4000  }
0x25: {  	s19 =	simm.s32 $0x400;
	s18 =	simm.s32 $0x200;
	[sflag:s10] =	ssyncset.done $0x0  }
.LBB2_2:
0x26: {  	s20 =	sshra.s32 s18, $0x2  }
0x27: {  	[sflag:s10] =	ssyncadd.s32 $0xFFFFC000;
	s18 =	smov.u32 s19;
	s19 =	sadd.s32 $0x200, s19  }
0x28: {  	[tilespmem:s15], [sflag:$0x1] =	stream.indirect.gather [hbm4b:s2+s14], $0x80, s20, s14, $0xb8;
	[tilespmem:$0x1D000] =	vst v63  }
0x29: {  	p0 =	sne.s32 s19, $0xA000;
	_ =	swait.ge [sflag:s16], $0x4000  }
.Ltmp0:
0x2a: {  	[sflag:s16] =	ssyncset.done $0x0;
	(pc) =	sbr.rel @p0 .LBB2_2-.Ltmp0, $4  }
0x2b: {  	s20 =	sadd.s32 $0x2800, s20;
	[sflag:s16] =	ssyncadd.s32 $0xFFFFC000  }
0x2c: {  	[spmem:s3] =	stream.indirect.scatter.add.f32 [tilespmem:s15], [sflag:$0x2], $0x80, s20, s14, $0xb8;
	[tilespmem:$0x1D000] =	vst v63  }
0x2d: {  	_ =	swait.ge [sflag:s10], $0x4000  }
0x2e: {  	[sflag:s10] =	ssyncset.done $0x0  }
0x2f: {  	s18 =	sshra.s32 s18, $0x2;
	[sflag:s10] =	ssyncadd.s32 $0xFFFFC000  }
0x30: {  	[tilespmem:s15], [sflag:$0x1] =	stream.indirect.gather [hbm4b:s2+s14], $0x80, s18, s14, $0xb8;
	[tilespmem:$0x1D000] =	vst v63  }
0x31: {  	_ =	swait.ge [sflag:s16], $0x4000  }
0x32: {  	[sflag:s16] =	ssyncset.done $0x0  }
0x33: {  	s18 =	sadd.s32 $0x2800, s18;
	[sflag:s16] =	ssyncadd.s32 $0xFFFFC000  }
0x34: {  	[spmem:s3] =	stream.indirect.scatter.add.f32 [tilespmem:s15], [sflag:$0x2], $0x80, s18, s14, $0xb8;
	[tilespmem:$0x1D000] =	vst v63  }
0x35: {  	_ =	swait.ge [sflag:s10], $0x4000  }
0x36: {  	s17 =	sadd.s32 $0x1, s17;
	[sflag:s10] =	ssyncset.done $0x0  }
0x37: {  	p0 =	sne.s32 s17, s9;
	[sflag:s10] =	ssyncadd.s32 $0xFFFFC000  }
.Ltmp1:
0x38: {  	[bflag:$0x0] =	sbarrier.arrive $0xFFFF;
	(pc) =	sbr.rel @p0 .LBB2_1-.Ltmp1, $4  }
0x39: {  	[hbm:s8], [sflag:s12] =	dma.local [spmem:s13], $0x2800  }
0x3a: {  	_ =	swait.ge [sflag:s10], $0x2800  }
0x3b: {  	[sflag:s10] =	ssyncset.done $0x0  }
0x3c: {  	[sflag:s10] =	ssyncadd.s32 $0xFFFFD800  }
0x3d: {  	_ =	sfence.sel $0x180000  }
0x3e: {  	[bflag:$0x0] =	sbarrier.arrive $0xFFFF  }
0x3f: {  	p0 =	sne.s32 s1, $0x0;
	_ =	strace $0x9000004D  }
0x40: {  	s0 =	sadd.s32 @!p0 $0x100000, s0;
	[bflag:$0x2] =	sbarrier.arrive $0xFFFF  }
0x41: {  	[sflag:s0] =	ssyncadd.tile.s32 @!p0 $0x1;
	_ =	shalt  }
.Lfunc_end2:
_tile_overlayer_lowered:
.L_overlay_start_2:
0x42: {  	(tag) =	ssettag $0x2  }
0x43: {  	s0 =	rddreg [dreg:$0x0];
	s2 =	stileid.u32  }
0x44: {  	s1 =	rddreg [dreg:$0x1];
	p0 =	sne.s32 s2, $0x0  }
0x45: {  	s3 =	rddreg [dreg:$0x2];
	[bflag:$0x3] =	sbarrier.arrive $0xFFFF;
	s2 =	simm.s32 @!p0 $0x1C02  }
0x46: {  	[timem:s3], [sflag:s2] =	dma.local @!p0 [hbm:s0], s1  }
0x47: {  	s0 =	simm.s32 @!p0 $0x2  }
0x48: {  	_ =	swait.ge @!p0 [sflag:s0], s1  }
0x49: {  	s1 =	ssub.s32 @!p0 $0x0, s1;
	[sflag:s0] =	ssyncset.done @!p0 $0x0  }
0x4a: {  	[sflag:s0] =	ssyncadd.s32 @!p0 s1  }
0x4b: {  	[bflag:$0x3] =	sbarrier.arrive $0xFFFF  }
0x4c: {  	_ =	shalt  }

// kernel: kernel.20.cloned.1.call-start
scs
__scs_entry_jumppad:
0x0: {  	(pc) =	sbr.rel $0x88, $3  }
0x1: {  	(tag) =	ssettag $0x0;
	lr =	simm.s32 $0x1  }
0x2: {  	[smem:$0x3F91] =	sst lr;
	_ =	strace $0xD0000000  }
0x3: {  	_ = 	snop  }
0x4: {  	_ = 	snop  }
0x5: {  	_ = 	snop  }
0x6: {  	_ = 	snop  }
0x7: {  	_ = 	snop  }
__scs_overlays_trampoline_lowered:
0x8: {  	[smem:$0x3FA0] =	sst s0  }
0x9: {  	[smem:$0x3FA1] =	sst s1  }
0xa: {  	[smem:$0x3FA2] =	sst s2  }
0xb: {  	[smem:$0x3FA3] =	sst s3  }
0xc: {  	[smem:$0x3FA4] =	sst s4  }
0xd: {  	[smem:$0x3FA5] =	sst s5  }
0xe: {  	[smem:$0x3FA6] =	sst s6  }
0xf: {  	[smem:$0x3FA7] =	sst s7  }
0x10: {  	[smem:$0x3FA8] =	sst s8  }
0x11: {  	[smem:$0x3FA9] =	sst s9;
	s0 =	simm.s32 @!p0 $0x0  }
0x12: {  	s1 =	sld [smem:$0x3F8F];
	s0 =	simm.s32 @p0 $0x1  }
0x13: {  	[smem:$0x3FAA] =	sst s0;
	s0 =	simm.s32 @!p1 $0x0  }
0x14: {  	s2 =	sld [smem:$0x3F8E];
	s0 =	simm.s32 @p1 $0x1  }
0x15: {  	[smem:$0x3FAB] =	sst s0;
	s0 =	simm.s32 @!p2 $0x0  }
0x16: {  	s3 =	sld [smem:$0x3FDB];
	s0 =	simm.s32 @p2 $0x1  }
0x17: {  	s4 =	simm.s32 $0x1BF5;
	[smem:$0x3FAD] =	sst s0  }
0x18: {  	s0 =	sld [smem:$0x3F90];
	_ =	swait.ge [sflag:s4], $0x0  }
0x19: {  	s7 =	sld [smem:$0x3F91]  }
0x1a: {  	s8 =	sadd.s32 $0xFFFFE003, lr  }
0x1b: {  	s9 =	sadd.s32 $0xFFFFFEF7, lr;
	s5 =	simm.s32 $0xFFFFFFFF;
	p2 =	slt.u32 s8, $0xFFFFF086  }
0x1c: {  	p1 =	slt.u32 s9, $0xF7A;
	s5 =	simm.s32 @!p2 $0x0  }
0x1d: {  	s5 =	simm.s32 @p1 $0x1;
	p0 =	seq.s32 s7, s2  }
0x1e: {  	s7 =	smul.u32 @!p0 $0xF7A, s2;
	p2 =	seq.s32 @!p0 s5, $0x0  }
0x1f: {  	s9 =	smul.u32 $0xF7A, s1;
	s8 =	simm.s32 @!p0 $0x1BF5;
	p2 =	por !p2, p0  }
0x20: {  	[sflag:s8] =	ssyncset.s32 @!p0 $0xFFFFF086;
	s6 =	sadd.s32 @!p0 s3, s7;
	s7 =	simm.s32 @!p0 $0x108  }
0x21: {  	s3 =	sadd.s32 s3, s9;
	s6 =	sadd.s32 @!p0 $0x88, s6;
	s7 =	simm.s32 @p2 $0x1082  }
0x22: {  	[simem:s7], [sflag:s8] =	dma.local @!p0 [hbm:s6], $0xF7A  }
0x23: {  	s9 =	sor.u32 $0xD0000000, s2;
	s6 =	simm.s32 $0x108;
	_ =	swait.ge @!p0 [sflag:s8], $0x0  }
0x24: {  	s3 =	sadd.s32 $0x88, s3;
	s6 =	simm.s32 @!p1 $0x1082;
	[sflag:s4] =	ssyncset.s32 $0xFFFFF086  }
0x25: {  	[simem:s6], [sflag:s4] =	dma.local [hbm:s3], $0xF7A  }
0x26: {  	[smem:$0x3F91] =	sst s1;
	(tag) =	ssettag s2;
	_ =	strace s9  }
0x27: {  	s1 =	sld [smem:$0x3FA1]  }
0x28: {  	s2 =	sld [smem:$0x3FA2]  }
0x29: {  	s4 =	sld [smem:$0x3FA4]  }
0x2a: {  	p0 =	seq.s32 s5, $0x0;
	s5 =	sld [smem:$0x3FA5]  }
0x2b: {  	s6 =	sld [smem:$0x3FA6]  }
0x2c: {  	s7 =	sld [smem:$0x3FA7]  }
0x2d: {  	s3 =	simm.s32 $0x108;
	s8 =	sld [smem:$0x3FA8]  }
0x2e: {  	s3 =	simm.s32 @!p0 $0x1082;
	s9 =	sld [smem:$0x3FA9]  }
0x2f: {  	lr =	sadd.s32 s0, s3;
	s0 =	sld [smem:$0x3FA0]  }
0x30: {  	s3 =	sld [smem:$0x3FA3]  }
0x31: {  	[smem:$0x3FAC] =	sst s10  }
0x32: {  	s10 =	sld [smem:$0x3FAA];
	_ =	sdelay $0x3  }
0x33: {  	p0 =	seq.s32 s10, $0x1;
	s10 =	sld [smem:$0x3FAC];
	_ =	sdelay $0x3  }
0x34: {  	[smem:$0x3FAC] =	sst s10  }
0x35: {  	s10 =	sld [smem:$0x3FAB];
	_ =	sdelay $0x3  }
0x36: {  	p1 =	seq.s32 s10, $0x1;
	s10 =	sld [smem:$0x3FAC];
	_ =	sdelay $0x3  }
0x37: {  	[smem:$0x3FAC] =	sst s10  }
0x38: {  	s10 =	sld [smem:$0x3FAD]  }
0x39: {  	_ = 	snop;
	(pc) =	sbr.ind lr, $3  }
0x3a: {  	_ = 	snop  }
0x3b: {  	_ = 	snop  }
0x3c: {  	p2 =	seq.s32 s10, $0x1;
	s10 =	sld [smem:$0x3FAC]  }
0x3d: {  	_ =	shalt  }
0x3e: {  	_ =	shalt  }
0x3f: {  	_ =	shalt  }
0x40: {  	_ =	shalt  }
0x41: {  	_ =	shalt  }
0x42: {  	_ =	shalt  }
0x43: {  	_ =	shalt  }
0x44: {  	_ =	shalt  }
0x45: {  	_ =	shalt  }
0x46: {  	_ =	shalt  }
0x47: {  	_ =	shalt  }
0x48: {  	_ =	shalt  }
0x49: {  	_ =	shalt  }
0x4a: {  	_ =	shalt  }
0x4b: {  	_ =	shalt  }
0x4c: {  	_ =	shalt  }
0x4d: {  	_ =	shalt  }
0x4e: {  	_ =	shalt  }
0x4f: {  	_ =	shalt  }
0x50: {  	_ =	shalt  }
0x51: {  	_ =	shalt  }
0x52: {  	_ =	shalt  }
0x53: {  	_ =	shalt  }
0x54: {  	_ =	shalt  }
0x55: {  	_ =	shalt  }
0x56: {  	_ =	shalt  }
0x57: {  	_ =	shalt  }
0x58: {  	_ =	shalt  }
0x59: {  	_ =	shalt  }
0x5a: {  	_ =	shalt  }
0x5b: {  	_ =	shalt  }
0x5c: {  	_ =	shalt  }
0x5d: {  	_ =	shalt  }
0x5e: {  	_ =	shalt  }
0x5f: {  	_ =	shalt  }
0x60: {  	_ =	shalt  }
0x61: {  	_ =	shalt  }
0x62: {  	_ =	shalt  }
0x63: {  	_ =	shalt  }
0x64: {  	_ =	shalt  }
0x65: {  	_ =	shalt  }
0x66: {  	_ =	shalt  }
0x67: {  	_ =	shalt  }
0x68: {  	_ =	shalt  }
0x69: {  	_ =	shalt  }
0x6a: {  	_ =	shalt  }
0x6b: {  	_ =	shalt  }
0x6c: {  	_ =	shalt  }
0x6d: {  	_ =	shalt  }
0x6e: {  	_ =	shalt  }
0x6f: {  	_ =	shalt  }
0x70: {  	_ =	shalt  }
0x71: {  	_ =	shalt  }
0x72: {  	_ =	shalt  }
0x73: {  	_ =	shalt  }
0x74: {  	_ =	shalt  }
0x75: {  	_ =	shalt  }
0x76: {  	_ =	shalt  }
0x77: {  	_ =	shalt  }
0x78: {  	_ =	shalt  }
0x79: {  	_ =	shalt  }
0x7a: {  	_ =	shalt  }
0x7b: {  	_ =	shalt  }
0x7c: {  	_ =	shalt  }
0x7d: {  	_ =	shalt  }
0x7e: {  	_ =	shalt  }
0x7f: {  	_ =	shalt  }
0x80: {  	_ =	shalt  }
0x81: {  	_ =	shalt  }
0x82: {  	_ =	shalt  }
0x83: {  	_ =	shalt  }
0x84: {  	_ =	shalt  }
0x85: {  	_ =	shalt  }
0x86: {  	_ =	shalt  }
0x87: {  	_ =	shalt  }
.Lfunc_end0:
.L_simem_size_0:
called_computation.3_lowered:
.L_overlay_start_0:
0x88: {  	s2 =	sld [smem:$0x3FD9]  }
0x89: {  	s3 =	sld [smem:$0x3FFE];
	_ =	sdelay $0x1  }
0x8a: {  	s1 =	srdreg.scid  }
0x8b: {  	s0 =	sand.u32 $0x1, s1  }
0x8c: {  	s17 =	sshll.u32 s0, $0xA;
	s2 =	sadd.s32 s3, s2  }
0x8d: {  	s2 =	sadd.s32 s2, s17  }
0x8e: {  	[smem:$0x3FB8] =	sst s2  }
0x8f: {  	_ = 	snop  }
0x90: {  	s2 =	sld [smem:$0x3FD0];
	(tm) =	ssettm $0x1  }
0x91: {  	s18 =	sld [smem:$0x3FFB];
	_ =	sdelay $0x3  }
0x92: {  	_ =	strace s18  }
0x93: {  	s3 =	sld [smem:$0x3FFC];
	_ =	sdelay $0x3  }
0x94: {  	_ =	strace s3  }
0x95: {  	s3 =	sld [smem:$0x3FFD];
	_ =	sdelay $0x3  }
0x96: {  	_ =	strace s3  }
0x97: {  	_ =	strace $0x8FFFFFFF  }
0x98: {  	s19 =	sld [smem:$0x3FDB];
	_ =	sdelay $0x1  }
0x99: {  	s4 =	simm.s32 $_scs_section_size  }
0x9a: {  	s5 =	simm.s32 $_size__tile_overlayer_lowered;
	s6 =	simm.s32 $_tile_overlayer_lowered  }
0x9b: {  	s22 =	simm.s32 $0x1BFF;
	s21 =	sshll.u32 s6, $0x1;
	s3 =	sadd.s32 s4, s19  }
0x9c: {  	s7 =	simm.s32 $0x0;
	s20 =	sshll.u32 s5, $0x1;
	s5 =	sadd.s32 s21, s3  }
0x9d: {  	[timem:s7], [sflag:s22] =	dma.local [hbm:s5], s20  }
0x9e: {  	_ =	swait.ge [sflag:s22], s20  }
0x9f: {  	s4 =	ssub.s32 $0x0, s20;
	[sflag:s22] =	ssyncset.done $0x0  }
0xa0: {  	[sflag:s22] =	ssyncadd.s32 s4;
	_ =	sdelay $0x1  }
0xa1: {  	s23 =	simm.s32 $0x1B8B  }
0xa2: {  	_ =	swait.ge [sflag:s23], $0x1  }
0xa3: {  	[sflag:s23] =	ssyncset.done $0x0  }
0xa4: {  	s25 =	simm.s32 $0x1B8E;
	s24 =	sld [smem:$0x3FFE];
	[sflag:s23] =	ssyncadd.s32 $0xFFFFFFFF  }
0xa5: {  	s26 =	simm.s32 $execute0_lowered;
	[smem:$0x3FD2] =	sst s25  }
0xa6: {  	s5 =	sshll.u32 s26, $0x1;
	_ =	strace $0x8000004F;
	[dreg:$0x1] =	wrdreg $0xFFFFFFFF  }
0xa7: {  	s28 =	simm.s32 $_size_execute0_lowered;
	s3 =	sadd.s32 s3, s5;
	[dreg:$0x0] =	wrdreg $0x0  }
0xa8: {  	s5 =	sshll.u32 s28, $0x1;
	[dreg:$0x2] =	wrdreg s3  }
0xa9: {  	[dreg:$0x3] =	wrdreg s5  }
0xaa: {  	[dreg:$0x4] =	wrdreg $0xC0  }
0xab: {  	_ =	task [dreg:s7], $0x5FFFF  }
0xac: {  	[dreg:$0x1] =	wrdreg $0xFFFFFFFF  }
0xad: {  	[dreg:$0x0] =	wrdreg $0x60  }
0xae: {  	[dreg:$0x2] =	wrdreg s2  }
0xaf: {  	[dreg:$0x3] =	wrdreg s24  }
0xb0: {  	[dreg:$0x4] =	wrdreg $0x90000  }
0xb1: {  	[dreg:$0x5] =	wrdreg $0x9  }
0xb2: {  	_ =	task.clear_ibuf [dreg:s7], $0x6FFFF;
	_ =	strace $0x9000004F  }
0xb3: {  	s29 =	simm.s32 $0x9;
	_ =	strace $0x80000051  }
0xb4: {  	_ =	swait.ge [sflag:s29], $0x1  }
0xb5: {  	[sflag:s29] =	ssyncadd.s32 $0xFFFFFFFF  }
0xb6: {  	_ =	strace $0x90000051  }
0xb7: {  	_ =	sfence  }
0xb8: {  	s30 =	sld [smem:$0x0];
	_ =	sdelay $0x2  }
0xb9: {  	s31 =	sshll.u32 s1, $0xD;
	s1 =	sshrl.u32 s1, $0x2  }
0xba: {  	s3 =	sand.u32 $0x4000, s31;
	s1 =	sadd.s32 s1, s30  }
0xbb: {  	s0 =	sor.u32 s3, s0;
	s1 =	sshll.u32 s1, $0x11  }
0xbc: {  	s0 =	sor.u32 s1, s0  }
0xbd: {  	s0 =	sadd.s32 $0x8F2B, s0  }
0xbe: {  	[sflag:s0] =	ssyncadd.remote.s32 $0x1  }
0xbf: {  	_ =	sfence.sel $0xFFFF  }
0xc0: {  	[dreg:$0x0] =	wrdreg $0xFFFFFFFF;
	(pc) =	sbr.abs _section_cstart, $3  }
0xc1: {  	[dreg:$0x1] =	wrdreg $0xFFFFFFFF  }
0xc2: {  	_ =	task.clear_ibuf [dreg:s7], $0x2FFFF;
	_ =	strace $0x9FFFFFFF  }
0xc3: {  	(tm) =	ssettm $0x7FFFFFFF  }
tec
execute0_lowered:
.L_overlay_start_1:
0x0: {  	(tag) =	ssettag $0x1  }
0x1: {  	s2 =	rddreg [dreg:$0x0]  }
0x2: {  	s5 =	rddreg [dreg:$0x1]  }
0x3: {  	s3 =	rddreg [dreg:$0x2]  }
0x4: {  	s0 =	rddreg [dreg:$0x3]  }
0x5: {  	s1 =	stileid.u32;
	s7 =	srdreg.scid  }
0x6: {  	s4 =	simm.s32 $0x0;
	s16 =	simm.s32 $0x1;
	s6 =	smul.u32 $0x500, s1  }
0x7: {  	s17 =	simm.s32 $0x0;
	s8 =	smul.u32 $0x14000, s1;
	s9 =	sand.u32 $0x1, s7  }
0x8: {  	[smem:$0x7FF] =	sst s4;
	s11 =	smul.u32 $0x50000, s1;
	s15 =	sadd.s32 $0x27100, s2  }
0x9: {  	s31 =	sshll.u32 s1, $0x6;
	s7 =	smul.u32 $0x140000, s9;
	_ =	strace $0x80000050  }
0xa: {  	s29 =	ssub.s32 $0x2, s9;
	p0 =	seq.s32 s9, $0x1;
	s6 =	sadd.s32 s6, s5  }
0xb: {  	s10 =	sshrl.u32 s8, $0x3;
	s12 =	sshrl.u32 s29, $0x1;
	s30 =	sshrl.u32 s11, $0x2  }
0xc: {  	s11 =	simm.s32 $0x2800;
	s2 =	smov.u32 @p0 s15;
	s15 =	simm.s32 $0x5000  }
0xd: {  	s7 =	sadd.s32 s8, s7;
	s10 =	sadd.s32 s10, s5;
	s12 =	ssub.s32 s29, s12  }
0xe: {  	s14 =	sadd.s32 s30, s3;
	s7 =	sshrl.u32 s7, $0x3;
	s9 =	smax.u32 s12, $0x1  }
0xf: {  	s12 =	sor.u32 $0x1C02, s31;
	s13 =	sadd.s32 s7, s5;
	s5 =	sadd.s32 $0x9000, s6  }
0x10: {  	s6 =	sadd.s32 $0xE000, s6;
	s7 =	sadd.s32 $0x13000, s10;
	s10 =	simm.s32 $0x2  }
0x11: {  	s8 =	sadd.s32 $0x3B000, s13;
	s13 =	sshrl.u32 s14, $0x3;
	s14 =	simm.s32 $0x80  }
.LBB2_1:
0x12: {  	[tilespmem:s4], [sflag:$0x2] =	stream.linear.gather [hbm4b:s5+s4], $0x2800, $0x38;
	[tilespmem:$0x1D000] =	vst v63  }
0x13: {  	_ =	swait.ge [sflag:s10], $0x2800  }
0x14: {  	[sflag:s10] =	ssyncset.done $0x0  }
0x15: {  	[sflag:s10] =	ssyncadd.s32 $0xFFFFD800  }
0x16: {  	[tilespmem:s11], [sflag:$0x2] =	stream.linear.gather [hbm4b:s6+s4], $0x2800, $0x38;
	[tilespmem:$0x1D000] =	vst v63  }
0x17: {  	_ =	swait.ge [sflag:s10], $0x2800  }
0x18: {  	[sflag:s10] =	ssyncset.done $0x0  }
0x19: {  	[sflag:s10] =	ssyncadd.s32 $0xFFFFD800  }
0x1a: {  	[spmem:s13], [sflag:s12] =	dma.local [hbm:s7], $0x2800  }
0x1b: {  	_ =	swait.ge [sflag:s10], $0x2800  }
0x1c: {  	[sflag:s10] =	ssyncset.done $0x0  }
0x1d: {  	[sflag:s10] =	ssyncadd.s32 $0xFFFFD800  }
0x1e: {  	s18 =	simm.s32 $0x0;
	[bflag:$0x0] =	sbarrier.arrive $0xFFFF  }
0x1f: {  	[tilespmem:s15], [sflag:$0x1] =	stream.indirect.gather [hbm4b:s2+s14], $0x80, s18, s14, $0xb8;
	[tilespmem:$0x1D000] =	vst v63  }
0x20: {  	_ =	swait.ge [sflag:s16], $0x4000  }
0x21: {  	[sflag:s16] =	ssyncset.done $0x0  }
0x22: {  	s31 =	simm.s32 $0x2800;
	[sflag:s16] =	ssyncadd.s32 $0xFFFFC000  }
0x23: {  	[spmem:s3] =	stream.indirect.scatter.add.f32 [tilespmem:s15], [sflag:$0x2], $0x80, s31, s14, $0xb8;
	[tilespmem:$0x1D000] =	vst v63  }
0x24: {  	_ =	swait.ge [sflag:s10], $0x4000  }
0x25: {  	s19 =	simm.s32 $0x400;
	s18 =	simm.s32 $0x200;
	[sflag:s10] =	ssyncset.done $0x0  }
.LBB2_2:
0x26: {  	s20 =	sshra.s32 s18, $0x2  }
0x27: {  	[sflag:s10] =	ssyncadd.s32 $0xFFFFC000;
	s18 =	smov.u32 s19;
	s19 =	sadd.s32 $0x200, s19  }
0x28: {  	[tilespmem:s15], [sflag:$0x1] =	stream.indirect.gather [hbm4b:s2+s14], $0x80, s20, s14, $0xb8;
	[tilespmem:$0x1D000] =	vst v63  }
0x29: {  	p0 =	sne.s32 s19, $0xA000;
	_ =	swait.ge [sflag:s16], $0x4000  }
.Ltmp0:
0x2a: {  	[sflag:s16] =	ssyncset.done $0x0;
	(pc) =	sbr.rel @p0 .LBB2_2-.Ltmp0, $4  }
0x2b: {  	s20 =	sadd.s32 $0x2800, s20;
	[sflag:s16] =	ssyncadd.s32 $0xFFFFC000  }
0x2c: {  	[spmem:s3] =	stream.indirect.scatter.add.f32 [tilespmem:s15], [sflag:$0x2], $0x80, s20, s14, $0xb8;
	[tilespmem:$0x1D000] =	vst v63  }
0x2d: {  	_ =	swait.ge [sflag:s10], $0x4000  }
0x2e: {  	[sflag:s10] =	ssyncset.done $0x0  }
0x2f: {  	s18 =	sshra.s32 s18, $0x2;
	[sflag:s10] =	ssyncadd.s32 $0xFFFFC000  }
0x30: {  	[tilespmem:s15], [sflag:$0x1] =	stream.indirect.gather [hbm4b:s2+s14], $0x80, s18, s14, $0xb8;
	[tilespmem:$0x1D000] =	vst v63  }
0x31: {  	_ =	swait.ge [sflag:s16], $0x4000  }
0x32: {  	[sflag:s16] =	ssyncset.done $0x0  }
0x33: {  	s18 =	sadd.s32 $0x2800, s18;
	[sflag:s16] =	ssyncadd.s32 $0xFFFFC000  }
0x34: {  	[spmem:s3] =	stream.indirect.scatter.add.f32 [tilespmem:s15], [sflag:$0x2], $0x80, s18, s14, $0xb8;
	[tilespmem:$0x1D000] =	vst v63  }
0x35: {  	_ =	swait.ge [sflag:s10], $0x4000  }
0x36: {  	s17 =	sadd.s32 $0x1, s17;
	[sflag:s10] =	ssyncset.done $0x0  }
0x37: {  	p0 =	sne.s32 s17, s9;
	[sflag:s10] =	ssyncadd.s32 $0xFFFFC000  }
.Ltmp1:
0x38: {  	[bflag:$0x0] =	sbarrier.arrive $0xFFFF;
	(pc) =	sbr.rel @p0 .LBB2_1-.Ltmp1, $4  }
0x39: {  	[hbm:s8], [sflag:s12] =	dma.local [spmem:s13], $0x2800  }
0x3a: {  	_ =	swait.ge [sflag:s10], $0x2800  }
0x3b: {  	[sflag:s10] =	ssyncset.done $0x0  }
0x3c: {  	[sflag:s10] =	ssyncadd.s32 $0xFFFFD800  }
0x3d: {  	_ =	sfence.sel $0x180000  }
0x3e: {  	[bflag:$0x0] =	sbarrier.arrive $0xFFFF  }
0x3f: {  	p0 =	sne.s32 s1, $0x0;
	_ =	strace $0x90000050  }
0x40: {  	s0 =	sadd.s32 @!p0 $0x100000, s0;
	[bflag:$0x2] =	sbarrier.arrive $0xFFFF  }
0x41: {  	[sflag:s0] =	ssyncadd.tile.s32 @!p0 $0x1;
	_ =	shalt  }
.Lfunc_end2:
_tile_overlayer_lowered:
.L_overlay_start_2:
0x42: {  	(tag) =	ssettag $0x2  }
0x43: {  	s0 =	rddreg [dreg:$0x0];
	s2 =	stileid.u32  }
0x44: {  	s1 =	rddreg [dreg:$0x1];
	p0 =	sne.s32 s2, $0x0  }
0x45: {  	s3 =	rddreg [dreg:$0x2];
	[bflag:$0x3] =	sbarrier.arrive $0xFFFF;
	s2 =	simm.s32 @!p0 $0x1C02  }
0x46: {  	[timem:s3], [sflag:s2] =	dma.local @!p0 [hbm:s0], s1  }
0x47: {  	s0 =	simm.s32 @!p0 $0x2  }
0x48: {  	_ =	swait.ge @!p0 [sflag:s0], s1  }
0x49: {  	s1 =	ssub.s32 @!p0 $0x0, s1;
	[sflag:s0] =	ssyncset.done @!p0 $0x0  }
0x4a: {  	[sflag:s0] =	ssyncadd.s32 @!p0 s1  }
0x4b: {  	[bflag:$0x3] =	sbarrier.arrive $0xFFFF  }
0x4c: {  	_ =	shalt  }

// kernel: kernel.23.cloned.1.call-start
scs
__scs_entry_jumppad:
0x0: {  	(pc) =	sbr.rel $0x88, $3  }
0x1: {  	(tag) =	ssettag $0x0;
	lr =	simm.s32 $0x1  }
0x2: {  	[smem:$0x3F91] =	sst lr;
	_ =	strace $0xD0000000  }
0x3: {  	_ = 	snop  }
0x4: {  	_ = 	snop  }
0x5: {  	_ = 	snop  }
0x6: {  	_ = 	snop  }
0x7: {  	_ = 	snop  }
__scs_overlays_trampoline_lowered:
0x8: {  	[smem:$0x3FA0] =	sst s0  }
0x9: {  	[smem:$0x3FA1] =	sst s1  }
0xa: {  	[smem:$0x3FA2] =	sst s2  }
0xb: {  	[smem:$0x3FA3] =	sst s3  }
0xc: {  	[smem:$0x3FA4] =	sst s4  }
0xd: {  	[smem:$0x3FA5] =	sst s5  }
0xe: {  	[smem:$0x3FA6] =	sst s6  }
0xf: {  	[smem:$0x3FA7] =	sst s7  }
0x10: {  	[smem:$0x3FA8] =	sst s8  }
0x11: {  	[smem:$0x3FA9] =	sst s9;
	s0 =	simm.s32 @!p0 $0x0  }
0x12: {  	s1 =	sld [smem:$0x3F8F];
	s0 =	simm.s32 @p0 $0x1  }
0x13: {  	[smem:$0x3FAA] =	sst s0;
	s0 =	simm.s32 @!p1 $0x0  }
0x14: {  	s2 =	sld [smem:$0x3F8E];
	s0 =	simm.s32 @p1 $0x1  }
0x15: {  	[smem:$0x3FAB] =	sst s0;
	s0 =	simm.s32 @!p2 $0x0  }
0x16: {  	s3 =	sld [smem:$0x3FDB];
	s0 =	simm.s32 @p2 $0x1  }
0x17: {  	s4 =	simm.s32 $0x1BF5;
	[smem:$0x3FAD] =	sst s0  }
0x18: {  	s0 =	sld [smem:$0x3F90];
	_ =	swait.ge [sflag:s4], $0x0  }
0x19: {  	s7 =	sld [smem:$0x3F91]  }
0x1a: {  	s8 =	sadd.s32 $0xFFFFE003, lr  }
0x1b: {  	s9 =	sadd.s32 $0xFFFFFEF7, lr;
	s5 =	simm.s32 $0xFFFFFFFF;
	p2 =	slt.u32 s8, $0xFFFFF086  }
0x1c: {  	p1 =	slt.u32 s9, $0xF7A;
	s5 =	simm.s32 @!p2 $0x0  }
0x1d: {  	s5 =	simm.s32 @p1 $0x1;
	p0 =	seq.s32 s7, s2  }
0x1e: {  	s7 =	smul.u32 @!p0 $0xF7A, s2;
	p2 =	seq.s32 @!p0 s5, $0x0  }
0x1f: {  	s9 =	smul.u32 $0xF7A, s1;
	s8 =	simm.s32 @!p0 $0x1BF5;
	p2 =	por !p2, p0  }
0x20: {  	[sflag:s8] =	ssyncset.s32 @!p0 $0xFFFFF086;
	s6 =	sadd.s32 @!p0 s3, s7;
	s7 =	simm.s32 @!p0 $0x108  }
0x21: {  	s3 =	sadd.s32 s3, s9;
	s6 =	sadd.s32 @!p0 $0x88, s6;
	s7 =	simm.s32 @p2 $0x1082  }
0x22: {  	[simem:s7], [sflag:s8] =	dma.local @!p0 [hbm:s6], $0xF7A  }
0x23: {  	s9 =	sor.u32 $0xD0000000, s2;
	s6 =	simm.s32 $0x108;
	_ =	swait.ge @!p0 [sflag:s8], $0x0  }
0x24: {  	s3 =	sadd.s32 $0x88, s3;
	s6 =	simm.s32 @!p1 $0x1082;
	[sflag:s4] =	ssyncset.s32 $0xFFFFF086  }
0x25: {  	[simem:s6], [sflag:s4] =	dma.local [hbm:s3], $0xF7A  }
0x26: {  	[smem:$0x3F91] =	sst s1;
	(tag) =	ssettag s2;
	_ =	strace s9  }
0x27: {  	s1 =	sld [smem:$0x3FA1]  }
0x28: {  	s2 =	sld [smem:$0x3FA2]  }
0x29: {  	s4 =	sld [smem:$0x3FA4]  }
0x2a: {  	p0 =	seq.s32 s5, $0x0;
	s5 =	sld [smem:$0x3FA5]  }
0x2b: {  	s6 =	sld [smem:$0x3FA6]  }
0x2c: {  	s7 =	sld [smem:$0x3FA7]  }
0x2d: {  	s3 =	simm.s32 $0x108;
	s8 =	sld [smem:$0x3FA8]  }
0x2e: {  	s3 =	simm.s32 @!p0 $0x1082;
	s9 =	sld [smem:$0x3FA9]  }
0x2f: {  	lr =	sadd.s32 s0, s3;
	s0 =	sld [smem:$0x3FA0]  }
0x30: {  	s3 =	sld [smem:$0x3FA3]  }
0x31: {  	[smem:$0x3FAC] =	sst s10  }
0x32: {  	s10 =	sld [smem:$0x3FAA];
	_ =	sdelay $0x3  }
0x33: {  	p0 =	seq.s32 s10, $0x1;
	s10 =	sld [smem:$0x3FAC];
	_ =	sdelay $0x3  }
0x34: {  	[smem:$0x3FAC] =	sst s10  }
0x35: {  	s10 =	sld [smem:$0x3FAB];
	_ =	sdelay $0x3  }
0x36: {  	p1 =	seq.s32 s10, $0x1;
	s10 =	sld [smem:$0x3FAC];
	_ =	sdelay $0x3  }
0x37: {  	[smem:$0x3FAC] =	sst s10  }
0x38: {  	s10 =	sld [smem:$0x3FAD]  }
0x39: {  	_ = 	snop;
	(pc) =	sbr.ind lr, $3  }
0x3a: {  	_ = 	snop  }
0x3b: {  	_ = 	snop  }
0x3c: {  	p2 =	seq.s32 s10, $0x1;
	s10 =	sld [smem:$0x3FAC]  }
0x3d: {  	_ =	shalt  }
0x3e: {  	_ =	shalt  }
0x3f: {  	_ =	shalt  }
0x40: {  	_ =	shalt  }
0x41: {  	_ =	shalt  }
0x42: {  	_ =	shalt  }
0x43: {  	_ =	shalt  }
0x44: {  	_ =	shalt  }
0x45: {  	_ =	shalt  }
0x46: {  	_ =	shalt  }
0x47: {  	_ =	shalt  }
0x48: {  	_ =	shalt  }
0x49: {  	_ =	shalt  }
0x4a: {  	_ =	shalt  }
0x4b: {  	_ =	shalt  }
0x4c: {  	_ =	shalt  }
0x4d: {  	_ =	shalt  }
0x4e: {  	_ =	shalt  }
0x4f: {  	_ =	shalt  }
0x50: {  	_ =	shalt  }
0x51: {  	_ =	shalt  }
0x52: {  	_ =	shalt  }
0x53: {  	_ =	shalt  }
0x54: {  	_ =	shalt  }
0x55: {  	_ =	shalt  }
0x56: {  	_ =	shalt  }
0x57: {  	_ =	shalt  }
0x58: {  	_ =	shalt  }
0x59: {  	_ =	shalt  }
0x5a: {  	_ =	shalt  }
0x5b: {  	_ =	shalt  }
0x5c: {  	_ =	shalt  }
0x5d: {  	_ =	shalt  }
0x5e: {  	_ =	shalt  }
0x5f: {  	_ =	shalt  }
0x60: {  	_ =	shalt  }
0x61: {  	_ =	shalt  }
0x62: {  	_ =	shalt  }
0x63: {  	_ =	shalt  }
0x64: {  	_ =	shalt  }
0x65: {  	_ =	shalt  }
0x66: {  	_ =	shalt  }
0x67: {  	_ =	shalt  }
0x68: {  	_ =	shalt  }
0x69: {  	_ =	shalt  }
0x6a: {  	_ =	shalt  }
0x6b: {  	_ =	shalt  }
0x6c: {  	_ =	shalt  }
0x6d: {  	_ =	shalt  }
0x6e: {  	_ =	shalt  }
0x6f: {  	_ =	shalt  }
0x70: {  	_ =	shalt  }
0x71: {  	_ =	shalt  }
0x72: {  	_ =	shalt  }
0x73: {  	_ =	shalt  }
0x74: {  	_ =	shalt  }
0x75: {  	_ =	shalt  }
0x76: {  	_ =	shalt  }
0x77: {  	_ =	shalt  }
0x78: {  	_ =	shalt  }
0x79: {  	_ =	shalt  }
0x7a: {  	_ =	shalt  }
0x7b: {  	_ =	shalt  }
0x7c: {  	_ =	shalt  }
0x7d: {  	_ =	shalt  }
0x7e: {  	_ =	shalt  }
0x7f: {  	_ =	shalt  }
0x80: {  	_ =	shalt  }
0x81: {  	_ =	shalt  }
0x82: {  	_ =	shalt  }
0x83: {  	_ =	shalt  }
0x84: {  	_ =	shalt  }
0x85: {  	_ =	shalt  }
0x86: {  	_ =	shalt  }
0x87: {  	_ =	shalt  }
.Lfunc_end0:
.L_simem_size_0:
called_computation.4_lowered:
.L_overlay_start_0:
0x88: {  	s2 =	sld [smem:$0x3FD9]  }
0x89: {  	s3 =	sld [smem:$0x3FFE];
	_ =	sdelay $0x1  }
0x8a: {  	s1 =	srdreg.scid  }
0x8b: {  	s0 =	sand.u32 $0x1, s1  }
0x8c: {  	s17 =	sshll.u32 s0, $0xA;
	s2 =	sadd.s32 s3, s2  }
0x8d: {  	s2 =	sadd.s32 s2, s17  }
0x8e: {  	[smem:$0x3FB8] =	sst s2  }
0x8f: {  	_ = 	snop  }
0x90: {  	s2 =	sld [smem:$0x3FD0];
	(tm) =	ssettm $0x1  }
0x91: {  	s18 =	sld [smem:$0x3FFB];
	_ =	sdelay $0x3  }
0x92: {  	_ =	strace s18  }
0x93: {  	s3 =	sld [smem:$0x3FFC];
	_ =	sdelay $0x3  }
0x94: {  	_ =	strace s3  }
0x95: {  	s3 =	sld [smem:$0x3FFD];
	_ =	sdelay $0x3  }
0x96: {  	_ =	strace s3  }
0x97: {  	_ =	strace $0x8FFFFFFF  }
0x98: {  	s19 =	sld [smem:$0x3FDB];
	_ =	sdelay $0x1  }
0x99: {  	s4 =	simm.s32 $_scs_section_size  }
0x9a: {  	s5 =	simm.s32 $_size__tile_overlayer_lowered;
	s6 =	simm.s32 $_tile_overlayer_lowered  }
0x9b: {  	s22 =	simm.s32 $0x1BFF;
	s21 =	sshll.u32 s6, $0x1;
	s3 =	sadd.s32 s4, s19  }
0x9c: {  	s7 =	simm.s32 $0x0;
	s20 =	sshll.u32 s5, $0x1;
	s5 =	sadd.s32 s21, s3  }
0x9d: {  	[timem:s7], [sflag:s22] =	dma.local [hbm:s5], s20  }
0x9e: {  	_ =	swait.ge [sflag:s22], s20  }
0x9f: {  	s4 =	ssub.s32 $0x0, s20;
	[sflag:s22] =	ssyncset.done $0x0  }
0xa0: {  	[sflag:s22] =	ssyncadd.s32 s4;
	_ =	sdelay $0x1  }
0xa1: {  	s23 =	simm.s32 $0x1B8B  }
0xa2: {  	_ =	swait.ge [sflag:s23], $0x1  }
0xa3: {  	[sflag:s23] =	ssyncset.done $0x0  }
0xa4: {  	s25 =	simm.s32 $0x1B8E;
	s24 =	sld [smem:$0x3FFE];
	[sflag:s23] =	ssyncadd.s32 $0xFFFFFFFF  }
0xa5: {  	s26 =	simm.s32 $execute0_lowered;
	[smem:$0x3FD2] =	sst s25  }
0xa6: {  	s5 =	sshll.u32 s26, $0x1;
	_ =	strace $0x80000052;
	[dreg:$0x1] =	wrdreg $0xFFFFFFFF  }
0xa7: {  	s28 =	simm.s32 $_size_execute0_lowered;
	s3 =	sadd.s32 s3, s5;
	[dreg:$0x0] =	wrdreg $0x0  }
0xa8: {  	s5 =	sshll.u32 s28, $0x1;
	[dreg:$0x2] =	wrdreg s3  }
0xa9: {  	[dreg:$0x3] =	wrdreg s5  }
0xaa: {  	[dreg:$0x4] =	wrdreg $0xC0  }
0xab: {  	_ =	task [dreg:s7], $0x5FFFF  }
0xac: {  	[dreg:$0x1] =	wrdreg $0xFFFFFFFF  }
0xad: {  	[dreg:$0x0] =	wrdreg $0x60  }
0xae: {  	[dreg:$0x2] =	wrdreg s2  }
0xaf: {  	[dreg:$0x3] =	wrdreg s24  }
0xb0: {  	[dreg:$0x4] =	wrdreg $0x90000  }
0xb1: {  	[dreg:$0x5] =	wrdreg $0x9  }
0xb2: {  	_ =	task.clear_ibuf [dreg:s7], $0x6FFFF;
	_ =	strace $0x90000052  }
0xb3: {  	s29 =	simm.s32 $0x9;
	_ =	strace $0x80000054  }
0xb4: {  	_ =	swait.ge [sflag:s29], $0x1  }
0xb5: {  	[sflag:s29] =	ssyncadd.s32 $0xFFFFFFFF  }
0xb6: {  	_ =	strace $0x90000054  }
0xb7: {  	_ =	sfence  }
0xb8: {  	s30 =	sld [smem:$0x0];
	_ =	sdelay $0x2  }
0xb9: {  	s31 =	sshll.u32 s1, $0xD;
	s1 =	sshrl.u32 s1, $0x2  }
0xba: {  	s3 =	sand.u32 $0x4000, s31;
	s1 =	sadd.s32 s1, s30  }
0xbb: {  	s0 =	sor.u32 s3, s0;
	s1 =	sshll.u32 s1, $0x11  }
0xbc: {  	s0 =	sor.u32 s1, s0  }
0xbd: {  	s0 =	sadd.s32 $0x8F2B, s0  }
0xbe: {  	[sflag:s0] =	ssyncadd.remote.s32 $0x1  }
0xbf: {  	_ =	sfence.sel $0xFFFF  }
0xc0: {  	[dreg:$0x0] =	wrdreg $0xFFFFFFFF;
	(pc) =	sbr.abs _section_cstart, $3  }
0xc1: {  	[dreg:$0x1] =	wrdreg $0xFFFFFFFF  }
0xc2: {  	_ =	task.clear_ibuf [dreg:s7], $0x2FFFF;
	_ =	strace $0x9FFFFFFF  }
0xc3: {  	(tm) =	ssettm $0x7FFFFFFF  }
tec
execute0_lowered:
.L_overlay_start_1:
0x0: {  	(tag) =	ssettag $0x1  }
0x1: {  	s2 =	rddreg [dreg:$0x0]  }
0x2: {  	s5 =	rddreg [dreg:$0x1]  }
0x3: {  	s3 =	rddreg [dreg:$0x2]  }
0x4: {  	s0 =	rddreg [dreg:$0x3]  }
0x5: {  	s1 =	stileid.u32;
	s7 =	srdreg.scid  }
0x6: {  	s4 =	simm.s32 $0x0;
	s16 =	simm.s32 $0x1;
	s6 =	smul.u32 $0x500, s1  }
0x7: {  	s17 =	simm.s32 $0x0;
	s8 =	smul.u32 $0x14000, s1;
	s9 =	sand.u32 $0x1, s7  }
0x8: {  	[smem:$0x7FF] =	sst s4;
	s11 =	smul.u32 $0x50000, s1;
	s15 =	sadd.s32 $0x27100, s2  }
0x9: {  	s31 =	sshll.u32 s1, $0x6;
	s7 =	smul.u32 $0x140000, s9;
	_ =	strace $0x80000053  }
0xa: {  	s29 =	ssub.s32 $0x2, s9;
	p0 =	seq.s32 s9, $0x1;
	s6 =	sadd.s32 s6, s5  }
0xb: {  	s10 =	sshrl.u32 s8, $0x3;
	s12 =	sshrl.u32 s29, $0x1;
	s30 =	sshrl.u32 s11, $0x2  }
0xc: {  	s11 =	simm.s32 $0x2800;
	s2 =	smov.u32 @p0 s15;
	s15 =	simm.s32 $0x5000  }
0xd: {  	s7 =	sadd.s32 s8, s7;
	s10 =	sadd.s32 s10, s5;
	s12 =	ssub.s32 s29, s12  }
0xe: {  	s14 =	sadd.s32 s30, s3;
	s7 =	sshrl.u32 s7, $0x3;
	s9 =	smax.u32 s12, $0x1  }
0xf: {  	s12 =	sor.u32 $0x1C02, s31;
	s13 =	sadd.s32 s7, s5;
	s5 =	sadd.s32 $0x9000, s6  }
0x10: {  	s6 =	sadd.s32 $0xE000, s6;
	s7 =	sadd.s32 $0x13000, s10;
	s10 =	simm.s32 $0x2  }
0x11: {  	s8 =	sadd.s32 $0x3B000, s13;
	s13 =	sshrl.u32 s14, $0x3;
	s14 =	simm.s32 $0x80  }
.LBB2_1:
0x12: {  	[tilespmem:s4], [sflag:$0x2] =	stream.linear.gather [hbm4b:s5+s4], $0x2800, $0x38;
	[tilespmem:$0x1D000] =	vst v63  }
0x13: {  	_ =	swait.ge [sflag:s10], $0x2800  }
0x14: {  	[sflag:s10] =	ssyncset.done $0x0  }
0x15: {  	[sflag:s10] =	ssyncadd.s32 $0xFFFFD800  }
0x16: {  	[tilespmem:s11], [sflag:$0x2] =	stream.linear.gather [hbm4b:s6+s4], $0x2800, $0x38;
	[tilespmem:$0x1D000] =	vst v63  }
0x17: {  	_ =	swait.ge [sflag:s10], $0x2800  }
0x18: {  	[sflag:s10] =	ssyncset.done $0x0  }
0x19: {  	[sflag:s10] =	ssyncadd.s32 $0xFFFFD800  }
0x1a: {  	[spmem:s13], [sflag:s12] =	dma.local [hbm:s7], $0x2800  }
0x1b: {  	_ =	swait.ge [sflag:s10], $0x2800  }
0x1c: {  	[sflag:s10] =	ssyncset.done $0x0  }
0x1d: {  	[sflag:s10] =	ssyncadd.s32 $0xFFFFD800  }
0x1e: {  	s18 =	simm.s32 $0x0;
	[bflag:$0x0] =	sbarrier.arrive $0xFFFF  }
0x1f: {  	[tilespmem:s15], [sflag:$0x1] =	stream.indirect.gather [hbm4b:s2+s14], $0x80, s18, s14, $0xb8;
	[tilespmem:$0x1D000] =	vst v63  }
0x20: {  	_ =	swait.ge [sflag:s16], $0x4000  }
0x21: {  	[sflag:s16] =	ssyncset.done $0x0  }
0x22: {  	s31 =	simm.s32 $0x2800;
	[sflag:s16] =	ssyncadd.s32 $0xFFFFC000  }
0x23: {  	[spmem:s3] =	stream.indirect.scatter.add.f32 [tilespmem:s15], [sflag:$0x2], $0x80, s31, s14, $0xb8;
	[tilespmem:$0x1D000] =	vst v63  }
0x24: {  	_ =	swait.ge [sflag:s10], $0x4000  }
0x25: {  	s19 =	simm.s32 $0x400;
	s18 =	simm.s32 $0x200;
	[sflag:s10] =	ssyncset.done $0x0  }
.LBB2_2:
0x26: {  	s20 =	sshra.s32 s18, $0x2  }
0x27: {  	[sflag:s10] =	ssyncadd.s32 $0xFFFFC000;
	s18 =	smov.u32 s19;
	s19 =	sadd.s32 $0x200, s19  }
0x28: {  	[tilespmem:s15], [sflag:$0x1] =	stream.indirect.gather [hbm4b:s2+s14], $0x80, s20, s14, $0xb8;
	[tilespmem:$0x1D000] =	vst v63  }
0x29: {  	p0 =	sne.s32 s19, $0xA000;
	_ =	swait.ge [sflag:s16], $0x4000  }
.Ltmp0:
0x2a: {  	[sflag:s16] =	ssyncset.done $0x0;
	(pc) =	sbr.rel @p0 .LBB2_2-.Ltmp0, $4  }
0x2b: {  	s20 =	sadd.s32 $0x2800, s20;
	[sflag:s16] =	ssyncadd.s32 $0xFFFFC000  }
0x2c: {  	[spmem:s3] =	stream.indirect.scatter.add.f32 [tilespmem:s15], [sflag:$0x2], $0x80, s20, s14, $0xb8;
	[tilespmem:$0x1D000] =	vst v63  }
0x2d: {  	_ =	swait.ge [sflag:s10], $0x4000  }
0x2e: {  	[sflag:s10] =	ssyncset.done $0x0  }
0x2f: {  	s18 =	sshra.s32 s18, $0x2;
	[sflag:s10] =	ssyncadd.s32 $0xFFFFC000  }
0x30: {  	[tilespmem:s15], [sflag:$0x1] =	stream.indirect.gather [hbm4b:s2+s14], $0x80, s18, s14, $0xb8;
	[tilespmem:$0x1D000] =	vst v63  }
0x31: {  	_ =	swait.ge [sflag:s16], $0x4000  }
0x32: {  	[sflag:s16] =	ssyncset.done $0x0  }
0x33: {  	s18 =	sadd.s32 $0x2800, s18;
	[sflag:s16] =	ssyncadd.s32 $0xFFFFC000  }
0x34: {  	[spmem:s3] =	stream.indirect.scatter.add.f32 [tilespmem:s15], [sflag:$0x2], $0x80, s18, s14, $0xb8;
	[tilespmem:$0x1D000] =	vst v63  }
0x35: {  	_ =	swait.ge [sflag:s10], $0x4000  }
0x36: {  	s17 =	sadd.s32 $0x1, s17;
	[sflag:s10] =	ssyncset.done $0x0  }
0x37: {  	p0 =	sne.s32 s17, s9;
	[sflag:s10] =	ssyncadd.s32 $0xFFFFC000  }
.Ltmp1:
0x38: {  	[bflag:$0x0] =	sbarrier.arrive $0xFFFF;
	(pc) =	sbr.rel @p0 .LBB2_1-.Ltmp1, $4  }
0x39: {  	[hbm:s8], [sflag:s12] =	dma.local [spmem:s13], $0x2800  }
0x3a: {  	_ =	swait.ge [sflag:s10], $0x2800  }
0x3b: {  	[sflag:s10] =	ssyncset.done $0x0  }
0x3c: {  	[sflag:s10] =	ssyncadd.s32 $0xFFFFD800  }
0x3d: {  	_ =	sfence.sel $0x180000  }
0x3e: {  	[bflag:$0x0] =	sbarrier.arrive $0xFFFF  }
0x3f: {  	p0 =	sne.s32 s1, $0x0;
	_ =	strace $0x90000053  }
0x40: {  	s0 =	sadd.s32 @!p0 $0x100000, s0;
	[bflag:$0x2] =	sbarrier.arrive $0xFFFF  }
0x41: {  	[sflag:s0] =	ssyncadd.tile.s32 @!p0 $0x1;
	_ =	shalt  }
.Lfunc_end2:
_tile_overlayer_lowered:
.L_overlay_start_2:
0x42: {  	(tag) =	ssettag $0x2  }
0x43: {  	s0 =	rddreg [dreg:$0x0];
	s2 =	stileid.u32  }
0x44: {  	s1 =	rddreg [dreg:$0x1];
	p0 =	sne.s32 s2, $0x0  }
0x45: {  	s3 =	rddreg [dreg:$0x2];
	[bflag:$0x3] =	sbarrier.arrive $0xFFFF;
	s2 =	simm.s32 @!p0 $0x1C02  }
0x46: {  	[timem:s3], [sflag:s2] =	dma.local @!p0 [hbm:s0], s1  }
0x47: {  	s0 =	simm.s32 @!p0 $0x2  }
0x48: {  	_ =	swait.ge @!p0 [sflag:s0], s1  }
0x49: {  	s1 =	ssub.s32 @!p0 $0x0, s1;
	[sflag:s0] =	ssyncset.done @!p0 $0x0  }
0x4a: {  	[sflag:s0] =	ssyncadd.s32 @!p0 s1  }
0x4b: {  	[bflag:$0x3] =	sbarrier.arrive $0xFFFF  }
0x4c: {  	_ =	shalt  }

</sc_bundles>
